<compile_context>
chip_gen: v7x
topology: tpu7x:2x2x1
jax: 0.10.2.dev20260603
libtpu: 0.0.44.dev20260713+nightly
codegen_flags: <defaults>
</compile_context>

<pallas_src>
import functools

import jax
import jax.numpy as jnp
from jax import lax
from jax.experimental import pallas as pl
from jax.experimental.pallas import tpu as pltpu
from jax.experimental.pallas import tpu_sc as plsc

_B = 16384
_D = 64
_NEG = 8
_NC = 2
_NS = 16
_NW = _NC * _NS
_CH = _B // _NW
_NCHUNK = 2 + _NEG
_NBUF = 3


def _gather_triplets(idx_i, idx_k, negs, table):
    mesh = plsc.VectorSubcoreMesh(core_axis_name="c", subcore_axis_name="s")

    @functools.partial(
        pl.kernel,
        mesh=mesh,
        out_type=(
            jax.ShapeDtypeStruct((_B, _D), jnp.float32),
            jax.ShapeDtypeStruct((_B, _D), jnp.float32),
            jax.ShapeDtypeStruct((_B, _NEG, _D), jnp.float32),
        ),
        scratch_types=(
            [
                pltpu.VMEM((_CH,), jnp.int32),
                pltpu.VMEM((_CH,), jnp.int32),
                pltpu.VMEM((_NEG, _CH), jnp.int32),
            ]
            + [pltpu.VMEM((_CH, _D), jnp.float32) for _ in range(_NBUF)]
            + [pltpu.SemaphoreType.DMA for _ in range(2 * _NBUF + 1)]
        ),
        compiler_params=pltpu.CompilerParams(
            use_tc_tiling_on_sc=False, needs_layout_passes=False),
    )
    def body(idx_i_hbm, idx_k_hbm, *rest):
        negs_hbm = rest[:_NEG]
        table_hbm, vi_hbm, vk_hbm, vj_hbm = rest[_NEG:_NEG + 4]
        idxi_v, idxk_v, coln_v = rest[_NEG + 4:_NEG + 7]
        bufs = rest[_NEG + 7:_NEG + 7 + _NBUF]
        gsem = rest[_NEG + 7 + _NBUF:_NEG + 7 + 2 * _NBUF]
        wsem = rest[_NEG + 7 + 2 * _NBUF:_NEG + 7 + 3 * _NBUF]
        isem = rest[_NEG + 7 + 3 * _NBUF]

        wid = lax.axis_index("s") * _NC + lax.axis_index("c")
        base = wid * _CH

        ih = [
            pltpu.async_copy(idx_i_hbm.at[pl.ds(base, _CH)], idxi_v, isem),
            pltpu.async_copy(idx_k_hbm.at[pl.ds(base, _CH)], idxk_v, isem),
        ] + [
            pltpu.async_copy(negs_hbm[c].at[pl.ds(base, _CH)],
                             coln_v.at[c], isem)
            for c in range(_NEG)
        ]
        for h in ih:
            h.wait()

        def out2(dst):
            return lambda buf, sem: pltpu.async_copy(
                buf, dst.at[pl.ds(base, _CH)], sem)

        def out3(c):
            return lambda buf, sem: pltpu.async_copy(
                buf, vj_hbm.at[pl.ds(base, _CH), c], sem)

        chunks = [
            (idxi_v, out2(vi_hbm)),
            (idxk_v, out2(vk_hbm)),
        ] + [
            (coln_v.at[c], out3(c)) for c in range(_NEG)
        ]

        gh, wh = {}, {}
        for t in range(_NCHUNK + 1):
            if t < _NCHUNK:
                b = t % _NBUF
                if t >= _NBUF:
                    wh[t - _NBUF].wait()
                gh[t] = pltpu.async_copy(
                    table_hbm.at[chunks[t][0]], bufs[b], gsem[b])
            u = t - 1
            if 0 <= u < _NCHUNK:
                b = u % _NBUF
                gh[u].wait()
                wh[u] = chunks[u][1](bufs[b], wsem[b])
        for u in range(_NCHUNK - _NBUF, _NCHUNK):
            wh[u].wait()

    return body(idx_i, idx_k, *negs, table)


def kernel(items, table):
    items = items.astype(jnp.int32)
    idx_i = items[:, 0]
    idx_k = items[:, 1]
    negs = [items[:, 2 + c] for c in range(_NEG)]
    return _gather_triplets(idx_i, idx_k, negs, table)

# --- scband reference (transcript-rebuilt; emitter-appended) ---
"""Pipeline reference for scband-bprembedding-model-24558622999181 (READ-ONLY COPY).

The authoritative reference and input builder live on the scoring server;
editing this copy changes nothing except your own understanding.
"""

import jax, jax.numpy as jnp
import numpy as np

NUM_ITEMS = 1000000
EMB_DIM = 64
BATCH = 16384
N_COLS = 10  # [target, pos, 8 negatives]


def setup_inputs(seed: int = 0) -> dict:
    key = jax.random.key(seed)
    k1, k2 = jax.random.split(key)
    items = jax.random.randint(k1, (BATCH, N_COLS), 0, NUM_ITEMS)
    table = jax.random.normal(k2, (NUM_ITEMS, EMB_DIM), dtype=jnp.float32) * 0.02
    return {"items": items, "table": table}


def reference(items, table):
    item_target = items[:, 0]
    item_pos = items[:, 1]
    item_neg = items[:, 2:]
    v_i = jnp.take(table, item_target, axis=0)
    v_k = jnp.take(table, item_pos, axis=0)
    v_j = jnp.take(table, item_neg, axis=0)
    return (v_i, v_k, v_j)

if __name__ == "__main__":
    import jax
    _d = setup_inputs()
    print(jax.jit(kernel)(*tuple(_d.values())))

</pallas_src>

<mosaic_0001>
#map = affine_map<(d0, d1) -> (0)>
#map1 = affine_map<(d0, d1) -> (0, 0)>
#map2 = affine_map<(d0, d1) -> (0, 0, 0)>
module attributes {stable_mosaic.version = 14 : i64} {
  func.func @body(%arg0: i32, %arg1: i32, %arg2: memref<16384xi32, #tpu.memory_space<hbm>>, %arg3: memref<16384xi32, #tpu.memory_space<hbm>>, %arg4: memref<16384xi32, #tpu.memory_space<hbm>>, %arg5: memref<16384xi32, #tpu.memory_space<hbm>>, %arg6: memref<16384xi32, #tpu.memory_space<hbm>>, %arg7: memref<16384xi32, #tpu.memory_space<hbm>>, %arg8: memref<16384xi32, #tpu.memory_space<hbm>>, %arg9: memref<16384xi32, #tpu.memory_space<hbm>>, %arg10: memref<16384xi32, #tpu.memory_space<hbm>>, %arg11: memref<16384xi32, #tpu.memory_space<hbm>>, %arg12: memref<1000000x64xf32, #tpu.memory_space<hbm>>, %arg13: memref<16384x64xf32, #tpu.memory_space<hbm>>, %arg14: memref<16384x64xf32, #tpu.memory_space<hbm>>, %arg15: memref<16384x8x64xf32, #tpu.memory_space<hbm>>, %arg16: memref<512xi32, #tpu.memory_space<vmem>>, %arg17: memref<512xi32, #tpu.memory_space<vmem>>, %arg18: memref<8x512xi32, #tpu.memory_space<vmem>>, %arg19: memref<512x64xf32, #tpu.memory_space<vmem>>, %arg20: memref<512x64xf32, #tpu.memory_space<vmem>>, %arg21: memref<512x64xf32, #tpu.memory_space<vmem>>, %arg22: memref<!tpu.dma_semaphore, #tpu.memory_space<semaphore_mem>>, %arg23: memref<!tpu.dma_semaphore, #tpu.memory_space<semaphore_mem>>, %arg24: memref<!tpu.dma_semaphore, #tpu.memory_space<semaphore_mem>>, %arg25: memref<!tpu.dma_semaphore, #tpu.memory_space<semaphore_mem>>, %arg26: memref<!tpu.dma_semaphore, #tpu.memory_space<semaphore_mem>>, %arg27: memref<!tpu.dma_semaphore, #tpu.memory_space<semaphore_mem>>, %arg28: memref<!tpu.dma_semaphore, #tpu.memory_space<semaphore_mem>>) attributes {dimension_semantics = [#tpu.dimension_semantics<core_parallel>, #tpu.dimension_semantics<subcore_parallel>], iteration_bounds = array<i64: 2, 16>, scalar_prefetch = 0 : i64, scratch_operands = 13 : i64, tpu.core_type = #tpu.core_type<sc_vector_subcore>, window_params = [{transform_indices = #map}, {transform_indices = #map}, {transform_indices = #map}, {transform_indices = #map}, {transform_indices = #map}, {transform_indices = #map}, {transform_indices = #map}, {transform_indices = #map}, {transform_indices = #map}, {transform_indices = #map}, {transform_indices = #map1}, {transform_indices = #map1}, {transform_indices = #map1}, {transform_indices = #map2}]} {
    %mul3A = arith.constant 2 : i32
    %mul3A_0 = arith.muli %arg1, %mul3A : i32
    %add3A = arith.addi %mul3A_0, %arg0 : i32
    %mul3A_1 = arith.constant 512 : i32
    %mul3A_2 = arith.muli %add3A, %mul3A_1 : i32
    %dma_start3A = tpu.memref_slice %arg2[%mul3A_2] : memref<16384xi32, #tpu.memory_space<hbm>> -> memref<512xi32, #tpu.memory_space<hbm>>
    %dma_start3A_3 = tpu.memref_slice %arg2[%mul3A_2] : memref<16384xi32, #tpu.memory_space<hbm>> -> memref<512xi32, #tpu.memory_space<hbm>>
    tpu.enqueue_dma source(%dma_start3A_3 : memref<512xi32, #tpu.memory_space<hbm>>) target(%arg16 : memref<512xi32, #tpu.memory_space<vmem>>) target_semaphore(%arg28 : memref<!tpu.dma_semaphore, #tpu.memory_space<semaphore_mem>>)
    %dma_start3A_4 = tpu.memref_slice %arg3[%mul3A_2] : memref<16384xi32, #tpu.memory_space<hbm>> -> memref<512xi32, #tpu.memory_space<hbm>>
    %dma_start3A_5 = tpu.memref_slice %arg3[%mul3A_2] : memref<16384xi32, #tpu.memory_space<hbm>> -> memref<512xi32, #tpu.memory_space<hbm>>
    tpu.enqueue_dma source(%dma_start3A_5 : memref<512xi32, #tpu.memory_space<hbm>>) target(%arg17 : memref<512xi32, #tpu.memory_space<vmem>>) target_semaphore(%arg28 : memref<!tpu.dma_semaphore, #tpu.memory_space<semaphore_mem>>)
    %dma_start3A_6 = arith.constant 0 : i32
    %dma_start3A_7 = arith.constant 0 : i32
    %dma_start3A_8 = tpu.memref_slice %arg18[%dma_start3A_6, %dma_start3A_7] : memref<8x512xi32, #tpu.memory_space<vmem>> -> memref<1x512xi32, #tpu.memory_space<vmem>>
    %dma_start3A_9 = tpu.memref_squeeze %dma_start3A_8 : memref<1x512xi32, #tpu.memory_space<vmem>> -> memref<512xi32, #tpu.memory_space<vmem>>
    %dma_start3A_10 = tpu.memref_slice %arg4[%mul3A_2] : memref<16384xi32, #tpu.memory_space<hbm>> -> memref<512xi32, #tpu.memory_space<hbm>>
    %dma_start3A_11 = arith.constant 0 : i32
    %dma_start3A_12 = tpu.memref_slice %arg18[%dma_start3A_6, %dma_start3A_11] : memref<8x512xi32, #tpu.memory_space<vmem>> -> memref<1x512xi32, #tpu.memory_space<vmem>>
    %dma_start3A_13 = tpu.memref_squeeze %dma_start3A_12 : memref<1x512xi32, #tpu.memory_space<vmem>> -> memref<512xi32, #tpu.memory_space<vmem>>
    %dma_start3A_14 = tpu.memref_slice %arg4[%mul3A_2] : memref<16384xi32, #tpu.memory_space<hbm>> -> memref<512xi32, #tpu.memory_space<hbm>>
    tpu.enqueue_dma source(%dma_start3A_14 : memref<512xi32, #tpu.memory_space<hbm>>) target(%dma_start3A_13 : memref<512xi32, #tpu.memory_space<vmem>>) target_semaphore(%arg28 : memref<!tpu.dma_semaphore, #tpu.memory_space<semaphore_mem>>)
    %dma_start3A_15 = arith.constant 1 : i32
    %dma_start3A_16 = arith.constant 0 : i32
    %dma_start3A_17 = tpu.memref_slice %arg18[%dma_start3A_15, %dma_start3A_16] : memref<8x512xi32, #tpu.memory_space<vmem>> -> memref<1x512xi32, #tpu.memory_space<vmem>>
    %dma_start3A_18 = tpu.memref_squeeze %dma_start3A_17 : memref<1x512xi32, #tpu.memory_space<vmem>> -> memref<512xi32, #tpu.memory_space<vmem>>
    %dma_start3A_19 = tpu.memref_slice %arg5[%mul3A_2] : memref<16384xi32, #tpu.memory_space<hbm>> -> memref<512xi32, #tpu.memory_space<hbm>>
    %dma_start3A_20 = arith.constant 0 : i32
    %dma_start3A_21 = tpu.memref_slice %arg18[%dma_start3A_15, %dma_start3A_20] : memref<8x512xi32, #tpu.memory_space<vmem>> -> memref<1x512xi32, #tpu.memory_space<vmem>>
    %dma_start3A_22 = tpu.memref_squeeze %dma_start3A_21 : memref<1x512xi32, #tpu.memory_space<vmem>> -> memref<512xi32, #tpu.memory_space<vmem>>
    %dma_start3A_23 = tpu.memref_slice %arg5[%mul3A_2] : memref<16384xi32, #tpu.memory_space<hbm>> -> memref<512xi32, #tpu.memory_space<hbm>>
    tpu.enqueue_dma source(%dma_start3A_23 : memref<512xi32, #tpu.memory_space<hbm>>) target(%dma_start3A_22 : memref<512xi32, #tpu.memory_space<vmem>>) target_semaphore(%arg28 : memref<!tpu.dma_semaphore, #tpu.memory_space<semaphore_mem>>)
    %dma_start3A_24 = arith.constant 2 : i32
    %dma_start3A_25 = arith.constant 0 : i32
    %dma_start3A_26 = tpu.memref_slice %arg18[%dma_start3A_24, %dma_start3A_25] : memref<8x512xi32, #tpu.memory_space<vmem>> -> memref<1x512xi32, #tpu.memory_space<vmem>>
    %dma_start3A_27 = tpu.memref_squeeze %dma_start3A_26 : memref<1x512xi32, #tpu.memory_space<vmem>> -> memref<512xi32, #tpu.memory_space<vmem>>
    %dma_start3A_28 = tpu.memref_slice %arg6[%mul3A_2] : memref<16384xi32, #tpu.memory_space<hbm>> -> memref<512xi32, #tpu.memory_space<hbm>>
    %dma_start3A_29 = arith.constant 0 : i32
    %dma_start3A_30 = tpu.memref_slice %arg18[%dma_start3A_24, %dma_start3A_29] : memref<8x512xi32, #tpu.memory_space<vmem>> -> memref<1x512xi32, #tpu.memory_space<vmem>>
    %dma_start3A_31 = tpu.memref_squeeze %dma_start3A_30 : memref<1x512xi32, #tpu.memory_space<vmem>> -> memref<512xi32, #tpu.memory_space<vmem>>
    %dma_start3A_32 = tpu.memref_slice %arg6[%mul3A_2] : memref<16384xi32, #tpu.memory_space<hbm>> -> memref<512xi32, #tpu.memory_space<hbm>>
    tpu.enqueue_dma source(%dma_start3A_32 : memref<512xi32, #tpu.memory_space<hbm>>) target(%dma_start3A_31 : memref<512xi32, #tpu.memory_space<vmem>>) target_semaphore(%arg28 : memref<!tpu.dma_semaphore, #tpu.memory_space<semaphore_mem>>)
    %dma_start3A_33 = arith.constant 3 : i32
    %dma_start3A_34 = arith.constant 0 : i32
    %dma_start3A_35 = tpu.memref_slice %arg18[%dma_start3A_33, %dma_start3A_34] : memref<8x512xi32, #tpu.memory_space<vmem>> -> memref<1x512xi32, #tpu.memory_space<vmem>>
    %dma_start3A_36 = tpu.memref_squeeze %dma_start3A_35 : memref<1x512xi32, #tpu.memory_space<vmem>> -> memref<512xi32, #tpu.memory_space<vmem>>
    %dma_start3A_37 = tpu.memref_slice %arg7[%mul3A_2] : memref<16384xi32, #tpu.memory_space<hbm>> -> memref<512xi32, #tpu.memory_space<hbm>>
    %dma_start3A_38 = arith.constant 0 : i32
    %dma_start3A_39 = tpu.memref_slice %arg18[%dma_start3A_33, %dma_start3A_38] : memref<8x512xi32, #tpu.memory_space<vmem>> -> memref<1x512xi32, #tpu.memory_space<vmem>>
    %dma_start3A_40 = tpu.memref_squeeze %dma_start3A_39 : memref<1x512xi32, #tpu.memory_space<vmem>> -> memref<512xi32, #tpu.memory_space<vmem>>
    %dma_start3A_41 = tpu.memref_slice %arg7[%mul3A_2] : memref<16384xi32, #tpu.memory_space<hbm>> -> memref<512xi32, #tpu.memory_space<hbm>>
    tpu.enqueue_dma source(%dma_start3A_41 : memref<512xi32, #tpu.memory_space<hbm>>) target(%dma_start3A_40 : memref<512xi32, #tpu.memory_space<vmem>>) target_semaphore(%arg28 : memref<!tpu.dma_semaphore, #tpu.memory_space<semaphore_mem>>)
    %dma_start3A_42 = arith.constant 4 : i32
    %dma_start3A_43 = arith.constant 0 : i32
    %dma_start3A_44 = tpu.memref_slice %arg18[%dma_start3A_42, %dma_start3A_43] : memref<8x512xi32, #tpu.memory_space<vmem>> -> memref<1x512xi32, #tpu.memory_space<vmem>>
    %dma_start3A_45 = tpu.memref_squeeze %dma_start3A_44 : memref<1x512xi32, #tpu.memory_space<vmem>> -> memref<512xi32, #tpu.memory_space<vmem>>
    %dma_start3A_46 = tpu.memref_slice %arg8[%mul3A_2] : memref<16384xi32, #tpu.memory_space<hbm>> -> memref<512xi32, #tpu.memory_space<hbm>>
    %dma_start3A_47 = arith.constant 0 : i32
    %dma_start3A_48 = tpu.memref_slice %arg18[%dma_start3A_42, %dma_start3A_47] : memref<8x512xi32, #tpu.memory_space<vmem>> -> memref<1x512xi32, #tpu.memory_space<vmem>>
    %dma_start3A_49 = tpu.memref_squeeze %dma_start3A_48 : memref<1x512xi32, #tpu.memory_space<vmem>> -> memref<512xi32, #tpu.memory_space<vmem>>
    %dma_start3A_50 = tpu.memref_slice %arg8[%mul3A_2] : memref<16384xi32, #tpu.memory_space<hbm>> -> memref<512xi32, #tpu.memory_space<hbm>>
    tpu.enqueue_dma source(%dma_start3A_50 : memref<512xi32, #tpu.memory_space<hbm>>) target(%dma_start3A_49 : memref<512xi32, #tpu.memory_space<vmem>>) target_semaphore(%arg28 : memref<!tpu.dma_semaphore, #tpu.memory_space<semaphore_mem>>)
    %dma_start3A_51 = arith.constant 5 : i32
    %dma_start3A_52 = arith.constant 0 : i32
    %dma_start3A_53 = tpu.memref_slice %arg18[%dma_start3A_51, %dma_start3A_52] : memref<8x512xi32, #tpu.memory_space<vmem>> -> memref<1x512xi32, #tpu.memory_space<vmem>>
    %dma_start3A_54 = tpu.memref_squeeze %dma_start3A_53 : memref<1x512xi32, #tpu.memory_space<vmem>> -> memref<512xi32, #tpu.memory_space<vmem>>
    %dma_start3A_55 = tpu.memref_slice %arg9[%mul3A_2] : memref<16384xi32, #tpu.memory_space<hbm>> -> memref<512xi32, #tpu.memory_space<hbm>>
    %dma_start3A_56 = arith.constant 0 : i32
    %dma_start3A_57 = tpu.memref_slice %arg18[%dma_start3A_51, %dma_start3A_56] : memref<8x512xi32, #tpu.memory_space<vmem>> -> memref<1x512xi32, #tpu.memory_space<vmem>>
    %dma_start3A_58 = tpu.memref_squeeze %dma_start3A_57 : memref<1x512xi32, #tpu.memory_space<vmem>> -> memref<512xi32, #tpu.memory_space<vmem>>
    %dma_start3A_59 = tpu.memref_slice %arg9[%mul3A_2] : memref<16384xi32, #tpu.memory_space<hbm>> -> memref<512xi32, #tpu.memory_space<hbm>>
    tpu.enqueue_dma source(%dma_start3A_59 : memref<512xi32, #tpu.memory_space<hbm>>) target(%dma_start3A_58 : memref<512xi32, #tpu.memory_space<vmem>>) target_semaphore(%arg28 : memref<!tpu.dma_semaphore, #tpu.memory_space<semaphore_mem>>)
    %dma_start3A_60 = arith.constant 6 : i32
    %dma_start3A_61 = arith.constant 0 : i32
    %dma_start3A_62 = tpu.memref_slice %arg18[%dma_start3A_60, %dma_start3A_61] : memref<8x512xi32, #tpu.memory_space<vmem>> -> memref<1x512xi32, #tpu.memory_space<vmem>>
    %dma_start3A_63 = tpu.memref_squeeze %dma_start3A_62 : memref<1x512xi32, #tpu.memory_space<vmem>> -> memref<512xi32, #tpu.memory_space<vmem>>
    %dma_start3A_64 = tpu.memref_slice %arg10[%mul3A_2] : memref<16384xi32, #tpu.memory_space<hbm>> -> memref<512xi32, #tpu.memory_space<hbm>>
    %dma_start3A_65 = arith.constant 0 : i32
    %dma_start3A_66 = tpu.memref_slice %arg18[%dma_start3A_60, %dma_start3A_65] : memref<8x512xi32, #tpu.memory_space<vmem>> -> memref<1x512xi32, #tpu.memory_space<vmem>>
    %dma_start3A_67 = tpu.memref_squeeze %dma_start3A_66 : memref<1x512xi32, #tpu.memory_space<vmem>> -> memref<512xi32, #tpu.memory_space<vmem>>
    %dma_start3A_68 = tpu.memref_slice %arg10[%mul3A_2] : memref<16384xi32, #tpu.memory_space<hbm>> -> memref<512xi32, #tpu.memory_space<hbm>>
    tpu.enqueue_dma source(%dma_start3A_68 : memref<512xi32, #tpu.memory_space<hbm>>) target(%dma_start3A_67 : memref<512xi32, #tpu.memory_space<vmem>>) target_semaphore(%arg28 : memref<!tpu.dma_semaphore, #tpu.memory_space<semaphore_mem>>)
    %dma_start3A_69 = arith.constant 7 : i32
    %dma_start3A_70 = arith.constant 0 : i32
    %dma_start3A_71 = tpu.memref_slice %arg18[%dma_start3A_69, %dma_start3A_70] : memref<8x512xi32, #tpu.memory_space<vmem>> -> memref<1x512xi32, #tpu.memory_space<vmem>>
    %dma_start3A_72 = tpu.memref_squeeze %dma_start3A_71 : memref<1x512xi32, #tpu.memory_space<vmem>> -> memref<512xi32, #tpu.memory_space<vmem>>
    %dma_start3A_73 = tpu.memref_slice %arg11[%mul3A_2] : memref<16384xi32, #tpu.memory_space<hbm>> -> memref<512xi32, #tpu.memory_space<hbm>>
    %dma_start3A_74 = arith.constant 0 : i32
    %dma_start3A_75 = tpu.memref_slice %arg18[%dma_start3A_69, %dma_start3A_74] : memref<8x512xi32, #tpu.memory_space<vmem>> -> memref<1x512xi32, #tpu.memory_space<vmem>>
    %dma_start3A_76 = tpu.memref_squeeze %dma_start3A_75 : memref<1x512xi32, #tpu.memory_space<vmem>> -> memref<512xi32, #tpu.memory_space<vmem>>
    %dma_start3A_77 = tpu.memref_slice %arg11[%mul3A_2] : memref<16384xi32, #tpu.memory_space<hbm>> -> memref<512xi32, #tpu.memory_space<hbm>>
    tpu.enqueue_dma source(%dma_start3A_77 : memref<512xi32, #tpu.memory_space<hbm>>) target(%dma_start3A_76 : memref<512xi32, #tpu.memory_space<vmem>>) target_semaphore(%arg28 : memref<!tpu.dma_semaphore, #tpu.memory_space<semaphore_mem>>)
    %dma_wait3A = tpu.memref_slice %arg2[%mul3A_2] : memref<16384xi32, #tpu.memory_space<hbm>> -> memref<512xi32, #tpu.memory_space<hbm>>
    %dma_wait3A_78 = tpu.memref_slice %arg2[%mul3A_2] : memref<16384xi32, #tpu.memory_space<hbm>> -> memref<512xi32, #tpu.memory_space<hbm>>
    tpu.wait_dma2 semaphore(%arg28 : memref<!tpu.dma_semaphore, #tpu.memory_space<semaphore_mem>>) src(%dma_wait3A_78 : memref<512xi32, #tpu.memory_space<hbm>>) dst(%arg16 : memref<512xi32, #tpu.memory_space<vmem>>)
    %dma_wait3A_79 = tpu.memref_slice %arg3[%mul3A_2] : memref<16384xi32, #tpu.memory_space<hbm>> -> memref<512xi32, #tpu.memory_space<hbm>>
    %dma_wait3A_80 = tpu.memref_slice %arg3[%mul3A_2] : memref<16384xi32, #tpu.memory_space<hbm>> -> memref<512xi32, #tpu.memory_space<hbm>>
    tpu.wait_dma2 semaphore(%arg28 : memref<!tpu.dma_semaphore, #tpu.memory_space<semaphore_mem>>) src(%dma_wait3A_80 : memref<512xi32, #tpu.memory_space<hbm>>) dst(%arg17 : memref<512xi32, #tpu.memory_space<vmem>>)
    %dma_wait3A_81 = arith.constant 0 : i32
    %dma_wait3A_82 = arith.constant 0 : i32
    %dma_wait3A_83 = tpu.memref_slice %arg18[%dma_wait3A_81, %dma_wait3A_82] : memref<8x512xi32, #tpu.memory_space<vmem>> -> memref<1x512xi32, #tpu.memory_space<vmem>>
    %dma_wait3A_84 = tpu.memref_squeeze %dma_wait3A_83 : memref<1x512xi32, #tpu.memory_space<vmem>> -> memref<512xi32, #tpu.memory_space<vmem>>
    %dma_wait3A_85 = tpu.memref_slice %arg4[%mul3A_2] : memref<16384xi32, #tpu.memory_space<hbm>> -> memref<512xi32, #tpu.memory_space<hbm>>
    %dma_wait3A_86 = arith.constant 0 : i32
    %dma_wait3A_87 = tpu.memref_slice %arg18[%dma_wait3A_81, %dma_wait3A_86] : memref<8x512xi32, #tpu.memory_space<vmem>> -> memref<1x512xi32, #tpu.memory_space<vmem>>
    %dma_wait3A_88 = tpu.memref_squeeze %dma_wait3A_87 : memref<1x512xi32, #tpu.memory_space<vmem>> -> memref<512xi32, #tpu.memory_space<vmem>>
    %dma_wait3A_89 = tpu.memref_slice %arg4[%mul3A_2] : memref<16384xi32, #tpu.memory_space<hbm>> -> memref<512xi32, #tpu.memory_space<hbm>>
    tpu.wait_dma2 semaphore(%arg28 : memref<!tpu.dma_semaphore, #tpu.memory_space<semaphore_mem>>) src(%dma_wait3A_89 : memref<512xi32, #tpu.memory_space<hbm>>) dst(%dma_wait3A_88 : memref<512xi32, #tpu.memory_space<vmem>>)
    %dma_wait3A_90 = arith.constant 1 : i32
    %dma_wait3A_91 = arith.constant 0 : i32
    %dma_wait3A_92 = tpu.memref_slice %arg18[%dma_wait3A_90, %dma_wait3A_91] : memref<8x512xi32, #tpu.memory_space<vmem>> -> memref<1x512xi32, #tpu.memory_space<vmem>>
    %dma_wait3A_93 = tpu.memref_squeeze %dma_wait3A_92 : memref<1x512xi32, #tpu.memory_space<vmem>> -> memref<512xi32, #tpu.memory_space<vmem>>
    %dma_wait3A_94 = tpu.memref_slice %arg5[%mul3A_2] : memref<16384xi32, #tpu.memory_space<hbm>> -> memref<512xi32, #tpu.memory_space<hbm>>
    %dma_wait3A_95 = arith.constant 0 : i32
    %dma_wait3A_96 = tpu.memref_slice %arg18[%dma_wait3A_90, %dma_wait3A_95] : memref<8x512xi32, #tpu.memory_space<vmem>> -> memref<1x512xi32, #tpu.memory_space<vmem>>
    %dma_wait3A_97 = tpu.memref_squeeze %dma_wait3A_96 : memref<1x512xi32, #tpu.memory_space<vmem>> -> memref<512xi32, #tpu.memory_space<vmem>>
    %dma_wait3A_98 = tpu.memref_slice %arg5[%mul3A_2] : memref<16384xi32, #tpu.memory_space<hbm>> -> memref<512xi32, #tpu.memory_space<hbm>>
    tpu.wait_dma2 semaphore(%arg28 : memref<!tpu.dma_semaphore, #tpu.memory_space<semaphore_mem>>) src(%dma_wait3A_98 : memref<512xi32, #tpu.memory_space<hbm>>) dst(%dma_wait3A_97 : memref<512xi32, #tpu.memory_space<vmem>>)
    %dma_wait3A_99 = arith.constant 2 : i32
    %dma_wait3A_100 = arith.constant 0 : i32
    %dma_wait3A_101 = tpu.memref_slice %arg18[%dma_wait3A_99, %dma_wait3A_100] : memref<8x512xi32, #tpu.memory_space<vmem>> -> memref<1x512xi32, #tpu.memory_space<vmem>>
    %dma_wait3A_102 = tpu.memref_squeeze %dma_wait3A_101 : memref<1x512xi32, #tpu.memory_space<vmem>> -> memref<512xi32, #tpu.memory_space<vmem>>
    %dma_wait3A_103 = tpu.memref_slice %arg6[%mul3A_2] : memref<16384xi32, #tpu.memory_space<hbm>> -> memref<512xi32, #tpu.memory_space<hbm>>
    %dma_wait3A_104 = arith.constant 0 : i32
    %dma_wait3A_105 = tpu.memref_slice %arg18[%dma_wait3A_99, %dma_wait3A_104] : memref<8x512xi32, #tpu.memory_space<vmem>> -> memref<1x512xi32, #tpu.memory_space<vmem>>
    %dma_wait3A_106 = tpu.memref_squeeze %dma_wait3A_105 : memref<1x512xi32, #tpu.memory_space<vmem>> -> memref<512xi32, #tpu.memory_space<vmem>>
    %dma_wait3A_107 = tpu.memref_slice %arg6[%mul3A_2] : memref<16384xi32, #tpu.memory_space<hbm>> -> memref<512xi32, #tpu.memory_space<hbm>>
    tpu.wait_dma2 semaphore(%arg28 : memref<!tpu.dma_semaphore, #tpu.memory_space<semaphore_mem>>) src(%dma_wait3A_107 : memref<512xi32, #tpu.memory_space<hbm>>) dst(%dma_wait3A_106 : memref<512xi32, #tpu.memory_space<vmem>>)
    %dma_wait3A_108 = arith.constant 3 : i32
    %dma_wait3A_109 = arith.constant 0 : i32
    %dma_wait3A_110 = tpu.memref_slice %arg18[%dma_wait3A_108, %dma_wait3A_109] : memref<8x512xi32, #tpu.memory_space<vmem>> -> memref<1x512xi32, #tpu.memory_space<vmem>>
    %dma_wait3A_111 = tpu.memref_squeeze %dma_wait3A_110 : memref<1x512xi32, #tpu.memory_space<vmem>> -> memref<512xi32, #tpu.memory_space<vmem>>
    %dma_wait3A_112 = tpu.memref_slice %arg7[%mul3A_2] : memref<16384xi32, #tpu.memory_space<hbm>> -> memref<512xi32, #tpu.memory_space<hbm>>
    %dma_wait3A_113 = arith.constant 0 : i32
    %dma_wait3A_114 = tpu.memref_slice %arg18[%dma_wait3A_108, %dma_wait3A_113] : memref<8x512xi32, #tpu.memory_space<vmem>> -> memref<1x512xi32, #tpu.memory_space<vmem>>
    %dma_wait3A_115 = tpu.memref_squeeze %dma_wait3A_114 : memref<1x512xi32, #tpu.memory_space<vmem>> -> memref<512xi32, #tpu.memory_space<vmem>>
    %dma_wait3A_116 = tpu.memref_slice %arg7[%mul3A_2] : memref<16384xi32, #tpu.memory_space<hbm>> -> memref<512xi32, #tpu.memory_space<hbm>>
    tpu.wait_dma2 semaphore(%arg28 : memref<!tpu.dma_semaphore, #tpu.memory_space<semaphore_mem>>) src(%dma_wait3A_116 : memref<512xi32, #tpu.memory_space<hbm>>) dst(%dma_wait3A_115 : memref<512xi32, #tpu.memory_space<vmem>>)
    %dma_wait3A_117 = arith.constant 4 : i32
    %dma_wait3A_118 = arith.constant 0 : i32
    %dma_wait3A_119 = tpu.memref_slice %arg18[%dma_wait3A_117, %dma_wait3A_118] : memref<8x512xi32, #tpu.memory_space<vmem>> -> memref<1x512xi32, #tpu.memory_space<vmem>>
    %dma_wait3A_120 = tpu.memref_squeeze %dma_wait3A_119 : memref<1x512xi32, #tpu.memory_space<vmem>> -> memref<512xi32, #tpu.memory_space<vmem>>
    %dma_wait3A_121 = tpu.memref_slice %arg8[%mul3A_2] : memref<16384xi32, #tpu.memory_space<hbm>> -> memref<512xi32, #tpu.memory_space<hbm>>
    %dma_wait3A_122 = arith.constant 0 : i32
    %dma_wait3A_123 = tpu.memref_slice %arg18[%dma_wait3A_117, %dma_wait3A_122] : memref<8x512xi32, #tpu.memory_space<vmem>> -> memref<1x512xi32, #tpu.memory_space<vmem>>
    %dma_wait3A_124 = tpu.memref_squeeze %dma_wait3A_123 : memref<1x512xi32, #tpu.memory_space<vmem>> -> memref<512xi32, #tpu.memory_space<vmem>>
    %dma_wait3A_125 = tpu.memref_slice %arg8[%mul3A_2] : memref<16384xi32, #tpu.memory_space<hbm>> -> memref<512xi32, #tpu.memory_space<hbm>>
    tpu.wait_dma2 semaphore(%arg28 : memref<!tpu.dma_semaphore, #tpu.memory_space<semaphore_mem>>) src(%dma_wait3A_125 : memref<512xi32, #tpu.memory_space<hbm>>) dst(%dma_wait3A_124 : memref<512xi32, #tpu.memory_space<vmem>>)
    %dma_wait3A_126 = arith.constant 5 : i32
    %dma_wait3A_127 = arith.constant 0 : i32
    %dma_wait3A_128 = tpu.memref_slice %arg18[%dma_wait3A_126, %dma_wait3A_127] : memref<8x512xi32, #tpu.memory_space<vmem>> -> memref<1x512xi32, #tpu.memory_space<vmem>>
    %dma_wait3A_129 = tpu.memref_squeeze %dma_wait3A_128 : memref<1x512xi32, #tpu.memory_space<vmem>> -> memref<512xi32, #tpu.memory_space<vmem>>
    %dma_wait3A_130 = tpu.memref_slice %arg9[%mul3A_2] : memref<16384xi32, #tpu.memory_space<hbm>> -> memref<512xi32, #tpu.memory_space<hbm>>
    %dma_wait3A_131 = arith.constant 0 : i32
    %dma_wait3A_132 = tpu.memref_slice %arg18[%dma_wait3A_126, %dma_wait3A_131] : memref<8x512xi32, #tpu.memory_space<vmem>> -> memref<1x512xi32, #tpu.memory_space<vmem>>
    %dma_wait3A_133 = tpu.memref_squeeze %dma_wait3A_132 : memref<1x512xi32, #tpu.memory_space<vmem>> -> memref<512xi32, #tpu.memory_space<vmem>>
    %dma_wait3A_134 = tpu.memref_slice %arg9[%mul3A_2] : memref<16384xi32, #tpu.memory_space<hbm>> -> memref<512xi32, #tpu.memory_space<hbm>>
    tpu.wait_dma2 semaphore(%arg28 : memref<!tpu.dma_semaphore, #tpu.memory_space<semaphore_mem>>) src(%dma_wait3A_134 : memref<512xi32, #tpu.memory_space<hbm>>) dst(%dma_wait3A_133 : memref<512xi32, #tpu.memory_space<vmem>>)
    %dma_wait3A_135 = arith.constant 6 : i32
    %dma_wait3A_136 = arith.constant 0 : i32
    %dma_wait3A_137 = tpu.memref_slice %arg18[%dma_wait3A_135, %dma_wait3A_136] : memref<8x512xi32, #tpu.memory_space<vmem>> -> memref<1x512xi32, #tpu.memory_space<vmem>>
    %dma_wait3A_138 = tpu.memref_squeeze %dma_wait3A_137 : memref<1x512xi32, #tpu.memory_space<vmem>> -> memref<512xi32, #tpu.memory_space<vmem>>
    %dma_wait3A_139 = tpu.memref_slice %arg10[%mul3A_2] : memref<16384xi32, #tpu.memory_space<hbm>> -> memref<512xi32, #tpu.memory_space<hbm>>
    %dma_wait3A_140 = arith.constant 0 : i32
    %dma_wait3A_141 = tpu.memref_slice %arg18[%dma_wait3A_135, %dma_wait3A_140] : memref<8x512xi32, #tpu.memory_space<vmem>> -> memref<1x512xi32, #tpu.memory_space<vmem>>
    %dma_wait3A_142 = tpu.memref_squeeze %dma_wait3A_141 : memref<1x512xi32, #tpu.memory_space<vmem>> -> memref<512xi32, #tpu.memory_space<vmem>>
    %dma_wait3A_143 = tpu.memref_slice %arg10[%mul3A_2] : memref<16384xi32, #tpu.memory_space<hbm>> -> memref<512xi32, #tpu.memory_space<hbm>>
    tpu.wait_dma2 semaphore(%arg28 : memref<!tpu.dma_semaphore, #tpu.memory_space<semaphore_mem>>) src(%dma_wait3A_143 : memref<512xi32, #tpu.memory_space<hbm>>) dst(%dma_wait3A_142 : memref<512xi32, #tpu.memory_space<vmem>>)
    %dma_wait3A_144 = arith.constant 7 : i32
    %dma_wait3A_145 = arith.constant 0 : i32
    %dma_wait3A_146 = tpu.memref_slice %arg18[%dma_wait3A_144, %dma_wait3A_145] : memref<8x512xi32, #tpu.memory_space<vmem>> -> memref<1x512xi32, #tpu.memory_space<vmem>>
    %dma_wait3A_147 = tpu.memref_squeeze %dma_wait3A_146 : memref<1x512xi32, #tpu.memory_space<vmem>> -> memref<512xi32, #tpu.memory_space<vmem>>
    %dma_wait3A_148 = tpu.memref_slice %arg11[%mul3A_2] : memref<16384xi32, #tpu.memory_space<hbm>> -> memref<512xi32, #tpu.memory_space<hbm>>
    %dma_wait3A_149 = arith.constant 0 : i32
    %dma_wait3A_150 = tpu.memref_slice %arg18[%dma_wait3A_144, %dma_wait3A_149] : memref<8x512xi32, #tpu.memory_space<vmem>> -> memref<1x512xi32, #tpu.memory_space<vmem>>
    %dma_wait3A_151 = tpu.memref_squeeze %dma_wait3A_150 : memref<1x512xi32, #tpu.memory_space<vmem>> -> memref<512xi32, #tpu.memory_space<vmem>>
    %dma_wait3A_152 = tpu.memref_slice %arg11[%mul3A_2] : memref<16384xi32, #tpu.memory_space<hbm>> -> memref<512xi32, #tpu.memory_space<hbm>>
    tpu.wait_dma2 semaphore(%arg28 : memref<!tpu.dma_semaphore, #tpu.memory_space<semaphore_mem>>) src(%dma_wait3A_152 : memref<512xi32, #tpu.memory_space<hbm>>) dst(%dma_wait3A_151 : memref<512xi32, #tpu.memory_space<vmem>>)
    %dma_start3A_153 = arith.constant 0 : i32
    %dma_start3A_154 = arith.constant 0 : i32
    %dma_start3A_155 = tpu.memref_slice %arg12[%dma_start3A_153, %dma_start3A_154] : memref<1000000x64xf32, #tpu.memory_space<hbm>> -> memref<1000000x64xf32, #tpu.memory_space<hbm>>
    tpu.enqueue_indirect_dma source(%dma_start3A_155 : memref<1000000x64xf32, #tpu.memory_space<hbm>>) target(%arg19 : memref<512x64xf32, #tpu.memory_space<vmem>>) offsets(%arg16 : memref<512xi32, #tpu.memory_space<vmem>>) semaphore(%arg22 : memref<!tpu.dma_semaphore, #tpu.memory_space<semaphore_mem>>)
    %dma_start3A_156 = arith.constant 0 : i32
    %dma_start3A_157 = arith.constant 0 : i32
    %dma_start3A_158 = tpu.memref_slice %arg12[%dma_start3A_156, %dma_start3A_157] : memref<1000000x64xf32, #tpu.memory_space<hbm>> -> memref<1000000x64xf32, #tpu.memory_space<hbm>>
    tpu.enqueue_indirect_dma source(%dma_start3A_158 : memref<1000000x64xf32, #tpu.memory_space<hbm>>) target(%arg20 : memref<512x64xf32, #tpu.memory_space<vmem>>) offsets(%arg17 : memref<512xi32, #tpu.memory_space<vmem>>) semaphore(%arg23 : memref<!tpu.dma_semaphore, #tpu.memory_space<semaphore_mem>>)
    %dma_wait3A_159 = arith.constant 0 : i32
    %dma_wait3A_160 = arith.constant 0 : i32
    %dma_wait3A_161 = tpu.memref_slice %arg12[%dma_wait3A_159, %dma_wait3A_160] : memref<1000000x64xf32, #tpu.memory_space<hbm>> -> memref<1000000x64xf32, #tpu.memory_space<hbm>>
    tpu.wait_indirect_dma semaphore(%arg22 : memref<!tpu.dma_semaphore, #tpu.memory_space<semaphore_mem>>) src(%dma_wait3A_161 : memref<1000000x64xf32, #tpu.memory_space<hbm>>) dst(%arg19 : memref<512x64xf32, #tpu.memory_space<vmem>>)
    %dma_start3A_162 = arith.constant 0 : i32
    %dma_start3A_163 = tpu.memref_slice %arg13[%mul3A_2, %dma_start3A_162] : memref<16384x64xf32, #tpu.memory_space<hbm>> -> memref<512x64xf32, #tpu.memory_space<hbm>>
    %dma_start3A_164 = arith.constant 0 : i32
    %dma_start3A_165 = tpu.memref_slice %arg13[%mul3A_2, %dma_start3A_164] : memref<16384x64xf32, #tpu.memory_space<hbm>> -> memref<512x64xf32, #tpu.memory_space<hbm>>
    tpu.enqueue_dma source(%arg19 : memref<512x64xf32, #tpu.memory_space<vmem>>) target(%dma_start3A_165 : memref<512x64xf32, #tpu.memory_space<hbm>>) target_semaphore(%arg25 : memref<!tpu.dma_semaphore, #tpu.memory_space<semaphore_mem>>)
    %dma_start3A_166 = arith.constant 0 : i32
    %dma_start3A_167 = arith.constant 0 : i32
    %dma_start3A_168 = tpu.memref_slice %arg18[%dma_start3A_166, %dma_start3A_167] : memref<8x512xi32, #tpu.memory_space<vmem>> -> memref<1x512xi32, #tpu.memory_space<vmem>>
    %dma_start3A_169 = tpu.memref_squeeze %dma_start3A_168 : memref<1x512xi32, #tpu.memory_space<vmem>> -> memref<512xi32, #tpu.memory_space<vmem>>
    %dma_start3A_170 = arith.constant 0 : i32
    %dma_start3A_171 = arith.constant 0 : i32
    %dma_start3A_172 = tpu.memref_slice %arg12[%dma_start3A_170, %dma_start3A_171] : memref<1000000x64xf32, #tpu.memory_space<hbm>> -> memref<1000000x64xf32, #tpu.memory_space<hbm>>
    tpu.enqueue_indirect_dma source(%dma_start3A_172 : memref<1000000x64xf32, #tpu.memory_space<hbm>>) target(%arg21 : memref<512x64xf32, #tpu.memory_space<vmem>>) offsets(%dma_start3A_169 : memref<512xi32, #tpu.memory_space<vmem>>) semaphore(%arg24 : memref<!tpu.dma_semaphore, #tpu.memory_space<semaphore_mem>>)
    %dma_wait3A_173 = arith.constant 0 : i32
    %dma_wait3A_174 = arith.constant 0 : i32
    %dma_wait3A_175 = tpu.memref_slice %arg12[%dma_wait3A_173, %dma_wait3A_174] : memref<1000000x64xf32, #tpu.memory_space<hbm>> -> memref<1000000x64xf32, #tpu.memory_space<hbm>>
    tpu.wait_indirect_dma semaphore(%arg23 : memref<!tpu.dma_semaphore, #tpu.memory_space<semaphore_mem>>) src(%dma_wait3A_175 : memref<1000000x64xf32, #tpu.memory_space<hbm>>) dst(%arg20 : memref<512x64xf32, #tpu.memory_space<vmem>>)
    %dma_start3A_176 = arith.constant 0 : i32
    %dma_start3A_177 = tpu.memref_slice %arg14[%mul3A_2, %dma_start3A_176] : memref<16384x64xf32, #tpu.memory_space<hbm>> -> memref<512x64xf32, #tpu.memory_space<hbm>>
    %dma_start3A_178 = arith.constant 0 : i32
    %dma_start3A_179 = tpu.memref_slice %arg14[%mul3A_2, %dma_start3A_178] : memref<16384x64xf32, #tpu.memory_space<hbm>> -> memref<512x64xf32, #tpu.memory_space<hbm>>
    tpu.enqueue_dma source(%arg20 : memref<512x64xf32, #tpu.memory_space<vmem>>) target(%dma_start3A_179 : memref<512x64xf32, #tpu.memory_space<hbm>>) target_semaphore(%arg26 : memref<!tpu.dma_semaphore, #tpu.memory_space<semaphore_mem>>)
    %dma_wait3A_180 = arith.constant 0 : i32
    %dma_wait3A_181 = tpu.memref_slice %arg13[%mul3A_2, %dma_wait3A_180] : memref<16384x64xf32, #tpu.memory_space<hbm>> -> memref<512x64xf32, #tpu.memory_space<hbm>>
    %dma_wait3A_182 = arith.constant 0 : i32
    %dma_wait3A_183 = tpu.memref_slice %arg13[%mul3A_2, %dma_wait3A_182] : memref<16384x64xf32, #tpu.memory_space<hbm>> -> memref<512x64xf32, #tpu.memory_space<hbm>>
    tpu.wait_dma2 semaphore(%arg25 : memref<!tpu.dma_semaphore, #tpu.memory_space<semaphore_mem>>) src(%arg19 : memref<512x64xf32, #tpu.memory_space<vmem>>) dst(%dma_wait3A_183 : memref<512x64xf32, #tpu.memory_space<hbm>>)
    %dma_start3A_184 = arith.constant 1 : i32
    %dma_start3A_185 = arith.constant 0 : i32
    %dma_start3A_186 = tpu.memref_slice %arg18[%dma_start3A_184, %dma_start3A_185] : memref<8x512xi32, #tpu.memory_space<vmem>> -> memref<1x512xi32, #tpu.memory_space<vmem>>
    %dma_start3A_187 = tpu.memref_squeeze %dma_start3A_186 : memref<1x512xi32, #tpu.memory_space<vmem>> -> memref<512xi32, #tpu.memory_space<vmem>>
    %dma_start3A_188 = arith.constant 0 : i32
    %dma_start3A_189 = arith.constant 0 : i32
    %dma_start3A_190 = tpu.memref_slice %arg12[%dma_start3A_188, %dma_start3A_189] : memref<1000000x64xf32, #tpu.memory_space<hbm>> -> memref<1000000x64xf32, #tpu.memory_space<hbm>>
    tpu.enqueue_indirect_dma source(%dma_start3A_190 : memref<1000000x64xf32, #tpu.memory_space<hbm>>) target(%arg19 : memref<512x64xf32, #tpu.memory_space<vmem>>) offsets(%dma_start3A_187 : memref<512xi32, #tpu.memory_space<vmem>>) semaphore(%arg22 : memref<!tpu.dma_semaphore, #tpu.memory_space<semaphore_mem>>)
    %dma_wait3A_191 = arith.constant 0 : i32
    %dma_wait3A_192 = arith.constant 0 : i32
    %dma_wait3A_193 = tpu.memref_slice %arg18[%dma_wait3A_191, %dma_wait3A_192] : memref<8x512xi32, #tpu.memory_space<vmem>> -> memref<1x512xi32, #tpu.memory_space<vmem>>
    %dma_wait3A_194 = tpu.memref_squeeze %dma_wait3A_193 : memref<1x512xi32, #tpu.memory_space<vmem>> -> memref<512xi32, #tpu.memory_space<vmem>>
    %dma_wait3A_195 = arith.constant 0 : i32
    %dma_wait3A_196 = arith.constant 0 : i32
    %dma_wait3A_197 = tpu.memref_slice %arg12[%dma_wait3A_195, %dma_wait3A_196] : memref<1000000x64xf32, #tpu.memory_space<hbm>> -> memref<1000000x64xf32, #tpu.memory_space<hbm>>
    tpu.wait_indirect_dma semaphore(%arg24 : memref<!tpu.dma_semaphore, #tpu.memory_space<semaphore_mem>>) src(%dma_wait3A_197 : memref<1000000x64xf32, #tpu.memory_space<hbm>>) dst(%arg21 : memref<512x64xf32, #tpu.memory_space<vmem>>)
    %dma_start3A_198 = arith.constant 0 : i32
    %dma_start3A_199 = arith.constant 0 : i32
    %dma_start3A_200 = tpu.memref_slice %arg15[%mul3A_2, %dma_start3A_198, %dma_start3A_199] : memref<16384x8x64xf32, #tpu.memory_space<hbm>> -> memref<512x1x64xf32, #tpu.memory_space<hbm>>
    %dma_start3A_201 = tpu.memref_squeeze %dma_start3A_200 : memref<512x1x64xf32, #tpu.memory_space<hbm>> -> memref<512x64xf32, #tpu.memory_space<hbm>>
    %dma_start3A_202 = arith.constant 0 : i32
    %dma_start3A_203 = tpu.memref_slice %arg15[%mul3A_2, %dma_start3A_198, %dma_start3A_202] : memref<16384x8x64xf32, #tpu.memory_space<hbm>> -> memref<512x1x64xf32, #tpu.memory_space<hbm>>
    %dma_start3A_204 = tpu.memref_squeeze %dma_start3A_203 : memref<512x1x64xf32, #tpu.memory_space<hbm>> -> memref<512x64xf32, #tpu.memory_space<hbm>>
    tpu.enqueue_dma source(%arg21 : memref<512x64xf32, #tpu.memory_space<vmem>>) target(%dma_start3A_204 : memref<512x64xf32, #tpu.memory_space<hbm>>) target_semaphore(%arg27 : memref<!tpu.dma_semaphore, #tpu.memory_space<semaphore_mem>>)
    %dma_wait3A_205 = arith.constant 0 : i32
    %dma_wait3A_206 = tpu.memref_slice %arg14[%mul3A_2, %dma_wait3A_205] : memref<16384x64xf32, #tpu.memory_space<hbm>> -> memref<512x64xf32, #tpu.memory_space<hbm>>
    %dma_wait3A_207 = arith.constant 0 : i32
    %dma_wait3A_208 = tpu.memref_slice %arg14[%mul3A_2, %dma_wait3A_207] : memref<16384x64xf32, #tpu.memory_space<hbm>> -> memref<512x64xf32, #tpu.memory_space<hbm>>
    tpu.wait_dma2 semaphore(%arg26 : memref<!tpu.dma_semaphore, #tpu.memory_space<semaphore_mem>>) src(%arg20 : memref<512x64xf32, #tpu.memory_space<vmem>>) dst(%dma_wait3A_208 : memref<512x64xf32, #tpu.memory_space<hbm>>)
    %dma_start3A_209 = arith.constant 2 : i32
    %dma_start3A_210 = arith.constant 0 : i32
    %dma_start3A_211 = tpu.memref_slice %arg18[%dma_start3A_209, %dma_start3A_210] : memref<8x512xi32, #tpu.memory_space<vmem>> -> memref<1x512xi32, #tpu.memory_space<vmem>>
    %dma_start3A_212 = tpu.memref_squeeze %dma_start3A_211 : memref<1x512xi32, #tpu.memory_space<vmem>> -> memref<512xi32, #tpu.memory_space<vmem>>
    %dma_start3A_213 = arith.constant 0 : i32
    %dma_start3A_214 = arith.constant 0 : i32
    %dma_start3A_215 = tpu.memref_slice %arg12[%dma_start3A_213, %dma_start3A_214] : memref<1000000x64xf32, #tpu.memory_space<hbm>> -> memref<1000000x64xf32, #tpu.memory_space<hbm>>
    tpu.enqueue_indirect_dma source(%dma_start3A_215 : memref<1000000x64xf32, #tpu.memory_space<hbm>>) target(%arg20 : memref<512x64xf32, #tpu.memory_space<vmem>>) offsets(%dma_start3A_212 : memref<512xi32, #tpu.memory_space<vmem>>) semaphore(%arg23 : memref<!tpu.dma_semaphore, #tpu.memory_space<semaphore_mem>>)
    %dma_wait3A_216 = arith.constant 1 : i32
    %dma_wait3A_217 = arith.constant 0 : i32
    %dma_wait3A_218 = tpu.memref_slice %arg18[%dma_wait3A_216, %dma_wait3A_217] : memref<8x512xi32, #tpu.memory_space<vmem>> -> memref<1x512xi32, #tpu.memory_space<vmem>>
    %dma_wait3A_219 = tpu.memref_squeeze %dma_wait3A_218 : memref<1x512xi32, #tpu.memory_space<vmem>> -> memref<512xi32, #tpu.memory_space<vmem>>
    %dma_wait3A_220 = arith.constant 0 : i32
    %dma_wait3A_221 = arith.constant 0 : i32
    %dma_wait3A_222 = tpu.memref_slice %arg12[%dma_wait3A_220, %dma_wait3A_221] : memref<1000000x64xf32, #tpu.memory_space<hbm>> -> memref<1000000x64xf32, #tpu.memory_space<hbm>>
    tpu.wait_indirect_dma semaphore(%arg22 : memref<!tpu.dma_semaphore, #tpu.memory_space<semaphore_mem>>) src(%dma_wait3A_222 : memref<1000000x64xf32, #tpu.memory_space<hbm>>) dst(%arg19 : memref<512x64xf32, #tpu.memory_space<vmem>>)
    %dma_start3A_223 = arith.constant 1 : i32
    %dma_start3A_224 = arith.constant 0 : i32
    %dma_start3A_225 = tpu.memref_slice %arg15[%mul3A_2, %dma_start3A_223, %dma_start3A_224] : memref<16384x8x64xf32, #tpu.memory_space<hbm>> -> memref<512x1x64xf32, #tpu.memory_space<hbm>>
    %dma_start3A_226 = tpu.memref_squeeze %dma_start3A_225 : memref<512x1x64xf32, #tpu.memory_space<hbm>> -> memref<512x64xf32, #tpu.memory_space<hbm>>
    %dma_start3A_227 = arith.constant 0 : i32
    %dma_start3A_228 = tpu.memref_slice %arg15[%mul3A_2, %dma_start3A_223, %dma_start3A_227] : memref<16384x8x64xf32, #tpu.memory_space<hbm>> -> memref<512x1x64xf32, #tpu.memory_space<hbm>>
    %dma_start3A_229 = tpu.memref_squeeze %dma_start3A_228 : memref<512x1x64xf32, #tpu.memory_space<hbm>> -> memref<512x64xf32, #tpu.memory_space<hbm>>
    tpu.enqueue_dma source(%arg19 : memref<512x64xf32, #tpu.memory_space<vmem>>) target(%dma_start3A_229 : memref<512x64xf32, #tpu.memory_space<hbm>>) target_semaphore(%arg25 : memref<!tpu.dma_semaphore, #tpu.memory_space<semaphore_mem>>)
    %dma_wait3A_230 = arith.constant 0 : i32
    %dma_wait3A_231 = arith.constant 0 : i32
    %dma_wait3A_232 = tpu.memref_slice %arg15[%mul3A_2, %dma_wait3A_230, %dma_wait3A_231] : memref<16384x8x64xf32, #tpu.memory_space<hbm>> -> memref<512x1x64xf32, #tpu.memory_space<hbm>>
    %dma_wait3A_233 = tpu.memref_squeeze %dma_wait3A_232 : memref<512x1x64xf32, #tpu.memory_space<hbm>> -> memref<512x64xf32, #tpu.memory_space<hbm>>
    %dma_wait3A_234 = arith.constant 0 : i32
    %dma_wait3A_235 = tpu.memref_slice %arg15[%mul3A_2, %dma_wait3A_230, %dma_wait3A_234] : memref<16384x8x64xf32, #tpu.memory_space<hbm>> -> memref<512x1x64xf32, #tpu.memory_space<hbm>>
    %dma_wait3A_236 = tpu.memref_squeeze %dma_wait3A_235 : memref<512x1x64xf32, #tpu.memory_space<hbm>> -> memref<512x64xf32, #tpu.memory_space<hbm>>
    tpu.wait_dma2 semaphore(%arg27 : memref<!tpu.dma_semaphore, #tpu.memory_space<semaphore_mem>>) src(%arg21 : memref<512x64xf32, #tpu.memory_space<vmem>>) dst(%dma_wait3A_236 : memref<512x64xf32, #tpu.memory_space<hbm>>)
    %dma_start3A_237 = arith.constant 3 : i32
    %dma_start3A_238 = arith.constant 0 : i32
    %dma_start3A_239 = tpu.memref_slice %arg18[%dma_start3A_237, %dma_start3A_238] : memref<8x512xi32, #tpu.memory_space<vmem>> -> memref<1x512xi32, #tpu.memory_space<vmem>>
    %dma_start3A_240 = tpu.memref_squeeze %dma_start3A_239 : memref<1x512xi32, #tpu.memory_space<vmem>> -> memref<512xi32, #tpu.memory_space<vmem>>
    %dma_start3A_241 = arith.constant 0 : i32
    %dma_start3A_242 = arith.constant 0 : i32
    %dma_start3A_243 = tpu.memref_slice %arg12[%dma_start3A_241, %dma_start3A_242] : memref<1000000x64xf32, #tpu.memory_space<hbm>> -> memref<1000000x64xf32, #tpu.memory_space<hbm>>
    tpu.enqueue_indirect_dma source(%dma_start3A_243 : memref<1000000x64xf32, #tpu.memory_space<hbm>>) target(%arg21 : memref<512x64xf32, #tpu.memory_space<vmem>>) offsets(%dma_start3A_240 : memref<512xi32, #tpu.memory_space<vmem>>) semaphore(%arg24 : memref<!tpu.dma_semaphore, #tpu.memory_space<semaphore_mem>>)
    %dma_wait3A_244 = arith.constant 2 : i32
    %dma_wait3A_245 = arith.constant 0 : i32
    %dma_wait3A_246 = tpu.memref_slice %arg18[%dma_wait3A_244, %dma_wait3A_245] : memref<8x512xi32, #tpu.memory_space<vmem>> -> memref<1x512xi32, #tpu.memory_space<vmem>>
    %dma_wait3A_247 = tpu.memref_squeeze %dma_wait3A_246 : memref<1x512xi32, #tpu.memory_space<vmem>> -> memref<512xi32, #tpu.memory_space<vmem>>
    %dma_wait3A_248 = arith.constant 0 : i32
    %dma_wait3A_249 = arith.constant 0 : i32
    %dma_wait3A_250 = tpu.memref_slice %arg12[%dma_wait3A_248, %dma_wait3A_249] : memref<1000000x64xf32, #tpu.memory_space<hbm>> -> memref<1000000x64xf32, #tpu.memory_space<hbm>>
    tpu.wait_indirect_dma semaphore(%arg23 : memref<!tpu.dma_semaphore, #tpu.memory_space<semaphore_mem>>) src(%dma_wait3A_250 : memref<1000000x64xf32, #tpu.memory_space<hbm>>) dst(%arg20 : memref<512x64xf32, #tpu.memory_space<vmem>>)
    %dma_start3A_251 = arith.constant 2 : i32
    %dma_start3A_252 = arith.constant 0 : i32
    %dma_start3A_253 = tpu.memref_slice %arg15[%mul3A_2, %dma_start3A_251, %dma_start3A_252] : memref<16384x8x64xf32, #tpu.memory_space<hbm>> -> memref<512x1x64xf32, #tpu.memory_space<hbm>>
    %dma_start3A_254 = tpu.memref_squeeze %dma_start3A_253 : memref<512x1x64xf32, #tpu.memory_space<hbm>> -> memref<512x64xf32, #tpu.memory_space<hbm>>
    %dma_start3A_255 = arith.constant 0 : i32
    %dma_start3A_256 = tpu.memref_slice %arg15[%mul3A_2, %dma_start3A_251, %dma_start3A_255] : memref<16384x8x64xf32, #tpu.memory_space<hbm>> -> memref<512x1x64xf32, #tpu.memory_space<hbm>>
    %dma_start3A_257 = tpu.memref_squeeze %dma_start3A_256 : memref<512x1x64xf32, #tpu.memory_space<hbm>> -> memref<512x64xf32, #tpu.memory_space<hbm>>
    tpu.enqueue_dma source(%arg20 : memref<512x64xf32, #tpu.memory_space<vmem>>) target(%dma_start3A_257 : memref<512x64xf32, #tpu.memory_space<hbm>>) target_semaphore(%arg26 : memref<!tpu.dma_semaphore, #tpu.memory_space<semaphore_mem>>)
    %dma_wait3A_258 = arith.constant 1 : i32
    %dma_wait3A_259 = arith.constant 0 : i32
    %dma_wait3A_260 = tpu.memref_slice %arg15[%mul3A_2, %dma_wait3A_258, %dma_wait3A_259] : memref<16384x8x64xf32, #tpu.memory_space<hbm>> -> memref<512x1x64xf32, #tpu.memory_space<hbm>>
    %dma_wait3A_261 = tpu.memref_squeeze %dma_wait3A_260 : memref<512x1x64xf32, #tpu.memory_space<hbm>> -> memref<512x64xf32, #tpu.memory_space<hbm>>
    %dma_wait3A_262 = arith.constant 0 : i32
    %dma_wait3A_263 = tpu.memref_slice %arg15[%mul3A_2, %dma_wait3A_258, %dma_wait3A_262] : memref<16384x8x64xf32, #tpu.memory_space<hbm>> -> memref<512x1x64xf32, #tpu.memory_space<hbm>>
    %dma_wait3A_264 = tpu.memref_squeeze %dma_wait3A_263 : memref<512x1x64xf32, #tpu.memory_space<hbm>> -> memref<512x64xf32, #tpu.memory_space<hbm>>
    tpu.wait_dma2 semaphore(%arg25 : memref<!tpu.dma_semaphore, #tpu.memory_space<semaphore_mem>>) src(%arg19 : memref<512x64xf32, #tpu.memory_space<vmem>>) dst(%dma_wait3A_264 : memref<512x64xf32, #tpu.memory_space<hbm>>)
    %dma_start3A_265 = arith.constant 4 : i32
    %dma_start3A_266 = arith.constant 0 : i32
    %dma_start3A_267 = tpu.memref_slice %arg18[%dma_start3A_265, %dma_start3A_266] : memref<8x512xi32, #tpu.memory_space<vmem>> -> memref<1x512xi32, #tpu.memory_space<vmem>>
    %dma_start3A_268 = tpu.memref_squeeze %dma_start3A_267 : memref<1x512xi32, #tpu.memory_space<vmem>> -> memref<512xi32, #tpu.memory_space<vmem>>
    %dma_start3A_269 = arith.constant 0 : i32
    %dma_start3A_270 = arith.constant 0 : i32
    %dma_start3A_271 = tpu.memref_slice %arg12[%dma_start3A_269, %dma_start3A_270] : memref<1000000x64xf32, #tpu.memory_space<hbm>> -> memref<1000000x64xf32, #tpu.memory_space<hbm>>
    tpu.enqueue_indirect_dma source(%dma_start3A_271 : memref<1000000x64xf32, #tpu.memory_space<hbm>>) target(%arg19 : memref<512x64xf32, #tpu.memory_space<vmem>>) offsets(%dma_start3A_268 : memref<512xi32, #tpu.memory_space<vmem>>) semaphore(%arg22 : memref<!tpu.dma_semaphore, #tpu.memory_space<semaphore_mem>>)
    %dma_wait3A_272 = arith.constant 3 : i32
    %dma_wait3A_273 = arith.constant 0 : i32
    %dma_wait3A_274 = tpu.memref_slice %arg18[%dma_wait3A_272, %dma_wait3A_273] : memref<8x512xi32, #tpu.memory_space<vmem>> -> memref<1x512xi32, #tpu.memory_space<vmem>>
    %dma_wait3A_275 = tpu.memref_squeeze %dma_wait3A_274 : memref<1x512xi32, #tpu.memory_space<vmem>> -> memref<512xi32, #tpu.memory_space<vmem>>
    %dma_wait3A_276 = arith.constant 0 : i32
    %dma_wait3A_277 = arith.constant 0 : i32
    %dma_wait3A_278 = tpu.memref_slice %arg12[%dma_wait3A_276, %dma_wait3A_277] : memref<1000000x64xf32, #tpu.memory_space<hbm>> -> memref<1000000x64xf32, #tpu.memory_space<hbm>>
    tpu.wait_indirect_dma semaphore(%arg24 : memref<!tpu.dma_semaphore, #tpu.memory_space<semaphore_mem>>) src(%dma_wait3A_278 : memref<1000000x64xf32, #tpu.memory_space<hbm>>) dst(%arg21 : memref<512x64xf32, #tpu.memory_space<vmem>>)
    %dma_start3A_279 = arith.constant 3 : i32
    %dma_start3A_280 = arith.constant 0 : i32
    %dma_start3A_281 = tpu.memref_slice %arg15[%mul3A_2, %dma_start3A_279, %dma_start3A_280] : memref<16384x8x64xf32, #tpu.memory_space<hbm>> -> memref<512x1x64xf32, #tpu.memory_space<hbm>>
    %dma_start3A_282 = tpu.memref_squeeze %dma_start3A_281 : memref<512x1x64xf32, #tpu.memory_space<hbm>> -> memref<512x64xf32, #tpu.memory_space<hbm>>
    %dma_start3A_283 = arith.constant 0 : i32
    %dma_start3A_284 = tpu.memref_slice %arg15[%mul3A_2, %dma_start3A_279, %dma_start3A_283] : memref<16384x8x64xf32, #tpu.memory_space<hbm>> -> memref<512x1x64xf32, #tpu.memory_space<hbm>>
    %dma_start3A_285 = tpu.memref_squeeze %dma_start3A_284 : memref<512x1x64xf32, #tpu.memory_space<hbm>> -> memref<512x64xf32, #tpu.memory_space<hbm>>
    tpu.enqueue_dma source(%arg21 : memref<512x64xf32, #tpu.memory_space<vmem>>) target(%dma_start3A_285 : memref<512x64xf32, #tpu.memory_space<hbm>>) target_semaphore(%arg27 : memref<!tpu.dma_semaphore, #tpu.memory_space<semaphore_mem>>)
    %dma_wait3A_286 = arith.constant 2 : i32
    %dma_wait3A_287 = arith.constant 0 : i32
    %dma_wait3A_288 = tpu.memref_slice %arg15[%mul3A_2, %dma_wait3A_286, %dma_wait3A_287] : memref<16384x8x64xf32, #tpu.memory_space<hbm>> -> memref<512x1x64xf32, #tpu.memory_space<hbm>>
    %dma_wait3A_289 = tpu.memref_squeeze %dma_wait3A_288 : memref<512x1x64xf32, #tpu.memory_space<hbm>> -> memref<512x64xf32, #tpu.memory_space<hbm>>
    %dma_wait3A_290 = arith.constant 0 : i32
    %dma_wait3A_291 = tpu.memref_slice %arg15[%mul3A_2, %dma_wait3A_286, %dma_wait3A_290] : memref<16384x8x64xf32, #tpu.memory_space<hbm>> -> memref<512x1x64xf32, #tpu.memory_space<hbm>>
    %dma_wait3A_292 = tpu.memref_squeeze %dma_wait3A_291 : memref<512x1x64xf32, #tpu.memory_space<hbm>> -> memref<512x64xf32, #tpu.memory_space<hbm>>
    tpu.wait_dma2 semaphore(%arg26 : memref<!tpu.dma_semaphore, #tpu.memory_space<semaphore_mem>>) src(%arg20 : memref<512x64xf32, #tpu.memory_space<vmem>>) dst(%dma_wait3A_292 : memref<512x64xf32, #tpu.memory_space<hbm>>)
    %dma_start3A_293 = arith.constant 5 : i32
    %dma_start3A_294 = arith.constant 0 : i32
    %dma_start3A_295 = tpu.memref_slice %arg18[%dma_start3A_293, %dma_start3A_294] : memref<8x512xi32, #tpu.memory_space<vmem>> -> memref<1x512xi32, #tpu.memory_space<vmem>>
    %dma_start3A_296 = tpu.memref_squeeze %dma_start3A_295 : memref<1x512xi32, #tpu.memory_space<vmem>> -> memref<512xi32, #tpu.memory_space<vmem>>
    %dma_start3A_297 = arith.constant 0 : i32
    %dma_start3A_298 = arith.constant 0 : i32
    %dma_start3A_299 = tpu.memref_slice %arg12[%dma_start3A_297, %dma_start3A_298] : memref<1000000x64xf32, #tpu.memory_space<hbm>> -> memref<1000000x64xf32, #tpu.memory_space<hbm>>
    tpu.enqueue_indirect_dma source(%dma_start3A_299 : memref<1000000x64xf32, #tpu.memory_space<hbm>>) target(%arg20 : memref<512x64xf32, #tpu.memory_space<vmem>>) offsets(%dma_start3A_296 : memref<512xi32, #tpu.memory_space<vmem>>) semaphore(%arg23 : memref<!tpu.dma_semaphore, #tpu.memory_space<semaphore_mem>>)
    %dma_wait3A_300 = arith.constant 4 : i32
    %dma_wait3A_301 = arith.constant 0 : i32
    %dma_wait3A_302 = tpu.memref_slice %arg18[%dma_wait3A_300, %dma_wait3A_301] : memref<8x512xi32, #tpu.memory_space<vmem>> -> memref<1x512xi32, #tpu.memory_space<vmem>>
    %dma_wait3A_303 = tpu.memref_squeeze %dma_wait3A_302 : memref<1x512xi32, #tpu.memory_space<vmem>> -> memref<512xi32, #tpu.memory_space<vmem>>
    %dma_wait3A_304 = arith.constant 0 : i32
    %dma_wait3A_305 = arith.constant 0 : i32
    %dma_wait3A_306 = tpu.memref_slice %arg12[%dma_wait3A_304, %dma_wait3A_305] : memref<1000000x64xf32, #tpu.memory_space<hbm>> -> memref<1000000x64xf32, #tpu.memory_space<hbm>>
    tpu.wait_indirect_dma semaphore(%arg22 : memref<!tpu.dma_semaphore, #tpu.memory_space<semaphore_mem>>) src(%dma_wait3A_306 : memref<1000000x64xf32, #tpu.memory_space<hbm>>) dst(%arg19 : memref<512x64xf32, #tpu.memory_space<vmem>>)
    %dma_start3A_307 = arith.constant 4 : i32
    %dma_start3A_308 = arith.constant 0 : i32
    %dma_start3A_309 = tpu.memref_slice %arg15[%mul3A_2, %dma_start3A_307, %dma_start3A_308] : memref<16384x8x64xf32, #tpu.memory_space<hbm>> -> memref<512x1x64xf32, #tpu.memory_space<hbm>>
    %dma_start3A_310 = tpu.memref_squeeze %dma_start3A_309 : memref<512x1x64xf32, #tpu.memory_space<hbm>> -> memref<512x64xf32, #tpu.memory_space<hbm>>
    %dma_start3A_311 = arith.constant 0 : i32
    %dma_start3A_312 = tpu.memref_slice %arg15[%mul3A_2, %dma_start3A_307, %dma_start3A_311] : memref<16384x8x64xf32, #tpu.memory_space<hbm>> -> memref<512x1x64xf32, #tpu.memory_space<hbm>>
    %dma_start3A_313 = tpu.memref_squeeze %dma_start3A_312 : memref<512x1x64xf32, #tpu.memory_space<hbm>> -> memref<512x64xf32, #tpu.memory_space<hbm>>
    tpu.enqueue_dma source(%arg19 : memref<512x64xf32, #tpu.memory_space<vmem>>) target(%dma_start3A_313 : memref<512x64xf32, #tpu.memory_space<hbm>>) target_semaphore(%arg25 : memref<!tpu.dma_semaphore, #tpu.memory_space<semaphore_mem>>)
    %dma_wait3A_314 = arith.constant 3 : i32
    %dma_wait3A_315 = arith.constant 0 : i32
    %dma_wait3A_316 = tpu.memref_slice %arg15[%mul3A_2, %dma_wait3A_314, %dma_wait3A_315] : memref<16384x8x64xf32, #tpu.memory_space<hbm>> -> memref<512x1x64xf32, #tpu.memory_space<hbm>>
    %dma_wait3A_317 = tpu.memref_squeeze %dma_wait3A_316 : memref<512x1x64xf32, #tpu.memory_space<hbm>> -> memref<512x64xf32, #tpu.memory_space<hbm>>
    %dma_wait3A_318 = arith.constant 0 : i32
    %dma_wait3A_319 = tpu.memref_slice %arg15[%mul3A_2, %dma_wait3A_314, %dma_wait3A_318] : memref<16384x8x64xf32, #tpu.memory_space<hbm>> -> memref<512x1x64xf32, #tpu.memory_space<hbm>>
    %dma_wait3A_320 = tpu.memref_squeeze %dma_wait3A_319 : memref<512x1x64xf32, #tpu.memory_space<hbm>> -> memref<512x64xf32, #tpu.memory_space<hbm>>
    tpu.wait_dma2 semaphore(%arg27 : memref<!tpu.dma_semaphore, #tpu.memory_space<semaphore_mem>>) src(%arg21 : memref<512x64xf32, #tpu.memory_space<vmem>>) dst(%dma_wait3A_320 : memref<512x64xf32, #tpu.memory_space<hbm>>)
    %dma_start3A_321 = arith.constant 6 : i32
    %dma_start3A_322 = arith.constant 0 : i32
    %dma_start3A_323 = tpu.memref_slice %arg18[%dma_start3A_321, %dma_start3A_322] : memref<8x512xi32, #tpu.memory_space<vmem>> -> memref<1x512xi32, #tpu.memory_space<vmem>>
    %dma_start3A_324 = tpu.memref_squeeze %dma_start3A_323 : memref<1x512xi32, #tpu.memory_space<vmem>> -> memref<512xi32, #tpu.memory_space<vmem>>
    %dma_start3A_325 = arith.constant 0 : i32
    %dma_start3A_326 = arith.constant 0 : i32
    %dma_start3A_327 = tpu.memref_slice %arg12[%dma_start3A_325, %dma_start3A_326] : memref<1000000x64xf32, #tpu.memory_space<hbm>> -> memref<1000000x64xf32, #tpu.memory_space<hbm>>
    tpu.enqueue_indirect_dma source(%dma_start3A_327 : memref<1000000x64xf32, #tpu.memory_space<hbm>>) target(%arg21 : memref<512x64xf32, #tpu.memory_space<vmem>>) offsets(%dma_start3A_324 : memref<512xi32, #tpu.memory_space<vmem>>) semaphore(%arg24 : memref<!tpu.dma_semaphore, #tpu.memory_space<semaphore_mem>>)
    %dma_wait3A_328 = arith.constant 5 : i32
    %dma_wait3A_329 = arith.constant 0 : i32
    %dma_wait3A_330 = tpu.memref_slice %arg18[%dma_wait3A_328, %dma_wait3A_329] : memref<8x512xi32, #tpu.memory_space<vmem>> -> memref<1x512xi32, #tpu.memory_space<vmem>>
    %dma_wait3A_331 = tpu.memref_squeeze %dma_wait3A_330 : memref<1x512xi32, #tpu.memory_space<vmem>> -> memref<512xi32, #tpu.memory_space<vmem>>
    %dma_wait3A_332 = arith.constant 0 : i32
    %dma_wait3A_333 = arith.constant 0 : i32
    %dma_wait3A_334 = tpu.memref_slice %arg12[%dma_wait3A_332, %dma_wait3A_333] : memref<1000000x64xf32, #tpu.memory_space<hbm>> -> memref<1000000x64xf32, #tpu.memory_space<hbm>>
    tpu.wait_indirect_dma semaphore(%arg23 : memref<!tpu.dma_semaphore, #tpu.memory_space<semaphore_mem>>) src(%dma_wait3A_334 : memref<1000000x64xf32, #tpu.memory_space<hbm>>) dst(%arg20 : memref<512x64xf32, #tpu.memory_space<vmem>>)
    %dma_start3A_335 = arith.constant 5 : i32
    %dma_start3A_336 = arith.constant 0 : i32
    %dma_start3A_337 = tpu.memref_slice %arg15[%mul3A_2, %dma_start3A_335, %dma_start3A_336] : memref<16384x8x64xf32, #tpu.memory_space<hbm>> -> memref<512x1x64xf32, #tpu.memory_space<hbm>>
    %dma_start3A_338 = tpu.memref_squeeze %dma_start3A_337 : memref<512x1x64xf32, #tpu.memory_space<hbm>> -> memref<512x64xf32, #tpu.memory_space<hbm>>
    %dma_start3A_339 = arith.constant 0 : i32
    %dma_start3A_340 = tpu.memref_slice %arg15[%mul3A_2, %dma_start3A_335, %dma_start3A_339] : memref<16384x8x64xf32, #tpu.memory_space<hbm>> -> memref<512x1x64xf32, #tpu.memory_space<hbm>>
    %dma_start3A_341 = tpu.memref_squeeze %dma_start3A_340 : memref<512x1x64xf32, #tpu.memory_space<hbm>> -> memref<512x64xf32, #tpu.memory_space<hbm>>
    tpu.enqueue_dma source(%arg20 : memref<512x64xf32, #tpu.memory_space<vmem>>) target(%dma_start3A_341 : memref<512x64xf32, #tpu.memory_space<hbm>>) target_semaphore(%arg26 : memref<!tpu.dma_semaphore, #tpu.memory_space<semaphore_mem>>)
    %dma_wait3A_342 = arith.constant 4 : i32
    %dma_wait3A_343 = arith.constant 0 : i32
    %dma_wait3A_344 = tpu.memref_slice %arg15[%mul3A_2, %dma_wait3A_342, %dma_wait3A_343] : memref<16384x8x64xf32, #tpu.memory_space<hbm>> -> memref<512x1x64xf32, #tpu.memory_space<hbm>>
    %dma_wait3A_345 = tpu.memref_squeeze %dma_wait3A_344 : memref<512x1x64xf32, #tpu.memory_space<hbm>> -> memref<512x64xf32, #tpu.memory_space<hbm>>
    %dma_wait3A_346 = arith.constant 0 : i32
    %dma_wait3A_347 = tpu.memref_slice %arg15[%mul3A_2, %dma_wait3A_342, %dma_wait3A_346] : memref<16384x8x64xf32, #tpu.memory_space<hbm>> -> memref<512x1x64xf32, #tpu.memory_space<hbm>>
    %dma_wait3A_348 = tpu.memref_squeeze %dma_wait3A_347 : memref<512x1x64xf32, #tpu.memory_space<hbm>> -> memref<512x64xf32, #tpu.memory_space<hbm>>
    tpu.wait_dma2 semaphore(%arg25 : memref<!tpu.dma_semaphore, #tpu.memory_space<semaphore_mem>>) src(%arg19 : memref<512x64xf32, #tpu.memory_space<vmem>>) dst(%dma_wait3A_348 : memref<512x64xf32, #tpu.memory_space<hbm>>)
    %dma_start3A_349 = arith.constant 7 : i32
    %dma_start3A_350 = arith.constant 0 : i32
    %dma_start3A_351 = tpu.memref_slice %arg18[%dma_start3A_349, %dma_start3A_350] : memref<8x512xi32, #tpu.memory_space<vmem>> -> memref<1x512xi32, #tpu.memory_space<vmem>>
    %dma_start3A_352 = tpu.memref_squeeze %dma_start3A_351 : memref<1x512xi32, #tpu.memory_space<vmem>> -> memref<512xi32, #tpu.memory_space<vmem>>
    %dma_start3A_353 = arith.constant 0 : i32
    %dma_start3A_354 = arith.constant 0 : i32
    %dma_start3A_355 = tpu.memref_slice %arg12[%dma_start3A_353, %dma_start3A_354] : memref<1000000x64xf32, #tpu.memory_space<hbm>> -> memref<1000000x64xf32, #tpu.memory_space<hbm>>
    tpu.enqueue_indirect_dma source(%dma_start3A_355 : memref<1000000x64xf32, #tpu.memory_space<hbm>>) target(%arg19 : memref<512x64xf32, #tpu.memory_space<vmem>>) offsets(%dma_start3A_352 : memref<512xi32, #tpu.memory_space<vmem>>) semaphore(%arg22 : memref<!tpu.dma_semaphore, #tpu.memory_space<semaphore_mem>>)
    %dma_wait3A_356 = arith.constant 6 : i32
    %dma_wait3A_357 = arith.constant 0 : i32
    %dma_wait3A_358 = tpu.memref_slice %arg18[%dma_wait3A_356, %dma_wait3A_357] : memref<8x512xi32, #tpu.memory_space<vmem>> -> memref<1x512xi32, #tpu.memory_space<vmem>>
    %dma_wait3A_359 = tpu.memref_squeeze %dma_wait3A_358 : memref<1x512xi32, #tpu.memory_space<vmem>> -> memref<512xi32, #tpu.memory_space<vmem>>
    %dma_wait3A_360 = arith.constant 0 : i32
    %dma_wait3A_361 = arith.constant 0 : i32
    %dma_wait3A_362 = tpu.memref_slice %arg12[%dma_wait3A_360, %dma_wait3A_361] : memref<1000000x64xf32, #tpu.memory_space<hbm>> -> memref<1000000x64xf32, #tpu.memory_space<hbm>>
    tpu.wait_indirect_dma semaphore(%arg24 : memref<!tpu.dma_semaphore, #tpu.memory_space<semaphore_mem>>) src(%dma_wait3A_362 : memref<1000000x64xf32, #tpu.memory_space<hbm>>) dst(%arg21 : memref<512x64xf32, #tpu.memory_space<vmem>>)
    %dma_start3A_363 = arith.constant 6 : i32
    %dma_start3A_364 = arith.constant 0 : i32
    %dma_start3A_365 = tpu.memref_slice %arg15[%mul3A_2, %dma_start3A_363, %dma_start3A_364] : memref<16384x8x64xf32, #tpu.memory_space<hbm>> -> memref<512x1x64xf32, #tpu.memory_space<hbm>>
    %dma_start3A_366 = tpu.memref_squeeze %dma_start3A_365 : memref<512x1x64xf32, #tpu.memory_space<hbm>> -> memref<512x64xf32, #tpu.memory_space<hbm>>
    %dma_start3A_367 = arith.constant 0 : i32
    %dma_start3A_368 = tpu.memref_slice %arg15[%mul3A_2, %dma_start3A_363, %dma_start3A_367] : memref<16384x8x64xf32, #tpu.memory_space<hbm>> -> memref<512x1x64xf32, #tpu.memory_space<hbm>>
    %dma_start3A_369 = tpu.memref_squeeze %dma_start3A_368 : memref<512x1x64xf32, #tpu.memory_space<hbm>> -> memref<512x64xf32, #tpu.memory_space<hbm>>
    tpu.enqueue_dma source(%arg21 : memref<512x64xf32, #tpu.memory_space<vmem>>) target(%dma_start3A_369 : memref<512x64xf32, #tpu.memory_space<hbm>>) target_semaphore(%arg27 : memref<!tpu.dma_semaphore, #tpu.memory_space<semaphore_mem>>)
    %dma_wait3A_370 = arith.constant 7 : i32
    %dma_wait3A_371 = arith.constant 0 : i32
    %dma_wait3A_372 = tpu.memref_slice %arg18[%dma_wait3A_370, %dma_wait3A_371] : memref<8x512xi32, #tpu.memory_space<vmem>> -> memref<1x512xi32, #tpu.memory_space<vmem>>
    %dma_wait3A_373 = tpu.memref_squeeze %dma_wait3A_372 : memref<1x512xi32, #tpu.memory_space<vmem>> -> memref<512xi32, #tpu.memory_space<vmem>>
    %dma_wait3A_374 = arith.constant 0 : i32
    %dma_wait3A_375 = arith.constant 0 : i32
    %dma_wait3A_376 = tpu.memref_slice %arg12[%dma_wait3A_374, %dma_wait3A_375] : memref<1000000x64xf32, #tpu.memory_space<hbm>> -> memref<1000000x64xf32, #tpu.memory_space<hbm>>
    tpu.wait_indirect_dma semaphore(%arg22 : memref<!tpu.dma_semaphore, #tpu.memory_space<semaphore_mem>>) src(%dma_wait3A_376 : memref<1000000x64xf32, #tpu.memory_space<hbm>>) dst(%arg19 : memref<512x64xf32, #tpu.memory_space<vmem>>)
    %dma_start3A_377 = arith.constant 7 : i32
    %dma_start3A_378 = arith.constant 0 : i32
    %dma_start3A_379 = tpu.memref_slice %arg15[%mul3A_2, %dma_start3A_377, %dma_start3A_378] : memref<16384x8x64xf32, #tpu.memory_space<hbm>> -> memref<512x1x64xf32, #tpu.memory_space<hbm>>
    %dma_start3A_380 = tpu.memref_squeeze %dma_start3A_379 : memref<512x1x64xf32, #tpu.memory_space<hbm>> -> memref<512x64xf32, #tpu.memory_space<hbm>>
    %dma_start3A_381 = arith.constant 0 : i32
    %dma_start3A_382 = tpu.memref_slice %arg15[%mul3A_2, %dma_start3A_377, %dma_start3A_381] : memref<16384x8x64xf32, #tpu.memory_space<hbm>> -> memref<512x1x64xf32, #tpu.memory_space<hbm>>
    %dma_start3A_383 = tpu.memref_squeeze %dma_start3A_382 : memref<512x1x64xf32, #tpu.memory_space<hbm>> -> memref<512x64xf32, #tpu.memory_space<hbm>>
    tpu.enqueue_dma source(%arg19 : memref<512x64xf32, #tpu.memory_space<vmem>>) target(%dma_start3A_383 : memref<512x64xf32, #tpu.memory_space<hbm>>) target_semaphore(%arg25 : memref<!tpu.dma_semaphore, #tpu.memory_space<semaphore_mem>>)
    %dma_wait3A_384 = arith.constant 5 : i32
    %dma_wait3A_385 = arith.constant 0 : i32
    %dma_wait3A_386 = tpu.memref_slice %arg15[%mul3A_2, %dma_wait3A_384, %dma_wait3A_385] : memref<16384x8x64xf32, #tpu.memory_space<hbm>> -> memref<512x1x64xf32, #tpu.memory_space<hbm>>
    %dma_wait3A_387 = tpu.memref_squeeze %dma_wait3A_386 : memref<512x1x64xf32, #tpu.memory_space<hbm>> -> memref<512x64xf32, #tpu.memory_space<hbm>>
    %dma_wait3A_388 = arith.constant 0 : i32
    %dma_wait3A_389 = tpu.memref_slice %arg15[%mul3A_2, %dma_wait3A_384, %dma_wait3A_388] : memref<16384x8x64xf32, #tpu.memory_space<hbm>> -> memref<512x1x64xf32, #tpu.memory_space<hbm>>
    %dma_wait3A_390 = tpu.memref_squeeze %dma_wait3A_389 : memref<512x1x64xf32, #tpu.memory_space<hbm>> -> memref<512x64xf32, #tpu.memory_space<hbm>>
    tpu.wait_dma2 semaphore(%arg26 : memref<!tpu.dma_semaphore, #tpu.memory_space<semaphore_mem>>) src(%arg20 : memref<512x64xf32, #tpu.memory_space<vmem>>) dst(%dma_wait3A_390 : memref<512x64xf32, #tpu.memory_space<hbm>>)
    %dma_wait3A_391 = arith.constant 6 : i32
    %dma_wait3A_392 = arith.constant 0 : i32
    %dma_wait3A_393 = tpu.memref_slice %arg15[%mul3A_2, %dma_wait3A_391, %dma_wait3A_392] : memref<16384x8x64xf32, #tpu.memory_space<hbm>> -> memref<512x1x64xf32, #tpu.memory_space<hbm>>
    %dma_wait3A_394 = tpu.memref_squeeze %dma_wait3A_393 : memref<512x1x64xf32, #tpu.memory_space<hbm>> -> memref<512x64xf32, #tpu.memory_space<hbm>>
    %dma_wait3A_395 = arith.constant 0 : i32
    %dma_wait3A_396 = tpu.memref_slice %arg15[%mul3A_2, %dma_wait3A_391, %dma_wait3A_395] : memref<16384x8x64xf32, #tpu.memory_space<hbm>> -> memref<512x1x64xf32, #tpu.memory_space<hbm>>
    %dma_wait3A_397 = tpu.memref_squeeze %dma_wait3A_396 : memref<512x1x64xf32, #tpu.memory_space<hbm>> -> memref<512x64xf32, #tpu.memory_space<hbm>>
    tpu.wait_dma2 semaphore(%arg27 : memref<!tpu.dma_semaphore, #tpu.memory_space<semaphore_mem>>) src(%arg21 : memref<512x64xf32, #tpu.memory_space<vmem>>) dst(%dma_wait3A_397 : memref<512x64xf32, #tpu.memory_space<hbm>>)
    %dma_wait3A_398 = arith.constant 7 : i32
    %dma_wait3A_399 = arith.constant 0 : i32
    %dma_wait3A_400 = tpu.memref_slice %arg15[%mul3A_2, %dma_wait3A_398, %dma_wait3A_399] : memref<16384x8x64xf32, #tpu.memory_space<hbm>> -> memref<512x1x64xf32, #tpu.memory_space<hbm>>
    %dma_wait3A_401 = tpu.memref_squeeze %dma_wait3A_400 : memref<512x1x64xf32, #tpu.memory_space<hbm>> -> memref<512x64xf32, #tpu.memory_space<hbm>>
    %dma_wait3A_402 = arith.constant 0 : i32
    %dma_wait3A_403 = tpu.memref_slice %arg15[%mul3A_2, %dma_wait3A_398, %dma_wait3A_402] : memref<16384x8x64xf32, #tpu.memory_space<hbm>> -> memref<512x1x64xf32, #tpu.memory_space<hbm>>
    %dma_wait3A_404 = tpu.memref_squeeze %dma_wait3A_403 : memref<512x1x64xf32, #tpu.memory_space<hbm>> -> memref<512x64xf32, #tpu.memory_space<hbm>>
    tpu.wait_dma2 semaphore(%arg25 : memref<!tpu.dma_semaphore, #tpu.memory_space<semaphore_mem>>) src(%arg19 : memref<512x64xf32, #tpu.memory_space<vmem>>) dst(%dma_wait3A_404 : memref<512x64xf32, #tpu.memory_space<hbm>>)
    return
  }
}

</mosaic_0001>

<sc_bundles>
// kernel: kernel.3.cloned.1.call-start
scs
__scs_entry_jumppad:
0x0: {  	(pc) =	sbr.rel $0x88, $3  }
0x1: {  	(tag) =	ssettag $0x0;
	lr =	simm.s32 $0x1  }
0x2: {  	[smem:$0x3F9F] =	sst lr;
	_ =	strace $0xD0000000  }
0x3: {  	_ = 	snop  }
0x4: {  	_ = 	snop  }
0x5: {  	_ = 	snop  }
0x6: {  	_ = 	snop  }
0x7: {  	_ = 	snop  }
__scs_overlays_trampoline_lowered:
0x8: {  	[smem:$0x3FAE] =	sst s0  }
0x9: {  	[smem:$0x3FAF] =	sst s1  }
0xa: {  	[smem:$0x3FB0] =	sst s2  }
0xb: {  	[smem:$0x3FB1] =	sst s3  }
0xc: {  	[smem:$0x3FB2] =	sst s4  }
0xd: {  	[smem:$0x3FB3] =	sst s5  }
0xe: {  	[smem:$0x3FB4] =	sst s6  }
0xf: {  	[smem:$0x3FB5] =	sst s7  }
0x10: {  	[smem:$0x3FB6] =	sst s8  }
0x11: {  	[smem:$0x3FB7] =	sst s9;
	s0 =	simm.s32 @!p0 $0x0  }
0x12: {  	s1 =	sld [smem:$0x3F9D];
	s0 =	simm.s32 @p0 $0x1  }
0x13: {  	[smem:$0x3FB8] =	sst s0;
	s0 =	simm.s32 @!p1 $0x0  }
0x14: {  	s2 =	sld [smem:$0x3F9C];
	s0 =	simm.s32 @p1 $0x1  }
0x15: {  	[smem:$0x3FB9] =	sst s0;
	s0 =	simm.s32 @!p2 $0x0  }
0x16: {  	s3 =	sld [smem:$0x3FDB];
	s0 =	simm.s32 @p2 $0x1  }
0x17: {  	s4 =	simm.s32 $0x1BF5;
	[smem:$0x3FBB] =	sst s0  }
0x18: {  	s0 =	sld [smem:$0x3F9E];
	_ =	swait.ge [sflag:s4], $0x0  }
0x19: {  	s7 =	sld [smem:$0x3F9F]  }
0x1a: {  	s8 =	sadd.s32 $0xFFFFE003, lr  }
0x1b: {  	s9 =	sadd.s32 $0xFFFFFEF7, lr;
	s5 =	simm.s32 $0xFFFFFFFF;
	p2 =	slt.u32 s8, $0xFFFFF086  }
0x1c: {  	p1 =	slt.u32 s9, $0xF7A;
	s5 =	simm.s32 @!p2 $0x0  }
0x1d: {  	s5 =	simm.s32 @p1 $0x1;
	p0 =	seq.s32 s7, s2  }
0x1e: {  	s7 =	smul.u32 @!p0 $0xF7A, s2;
	p2 =	seq.s32 @!p0 s5, $0x0  }
0x1f: {  	s9 =	smul.u32 $0xF7A, s1;
	s8 =	simm.s32 @!p0 $0x1BF5;
	p2 =	por !p2, p0  }
0x20: {  	[sflag:s8] =	ssyncset.s32 @!p0 $0xFFFFF086;
	s6 =	sadd.s32 @!p0 s3, s7;
	s7 =	simm.s32 @!p0 $0x108  }
0x21: {  	s3 =	sadd.s32 s3, s9;
	s6 =	sadd.s32 @!p0 $0x88, s6;
	s7 =	simm.s32 @p2 $0x1082  }
0x22: {  	[simem:s7], [sflag:s8] =	dma.local @!p0 [hbm:s6], $0xF7A  }
0x23: {  	s9 =	sor.u32 $0xD0000000, s2;
	s6 =	simm.s32 $0x108;
	_ =	swait.ge @!p0 [sflag:s8], $0x0  }
0x24: {  	s3 =	sadd.s32 $0x88, s3;
	s6 =	simm.s32 @!p1 $0x1082;
	[sflag:s4] =	ssyncset.s32 $0xFFFFF086  }
0x25: {  	[simem:s6], [sflag:s4] =	dma.local [hbm:s3], $0xF7A  }
0x26: {  	[smem:$0x3F9F] =	sst s1;
	(tag) =	ssettag s2;
	_ =	strace s9  }
0x27: {  	s1 =	sld [smem:$0x3FAF]  }
0x28: {  	s2 =	sld [smem:$0x3FB0]  }
0x29: {  	s4 =	sld [smem:$0x3FB2]  }
0x2a: {  	p0 =	seq.s32 s5, $0x0;
	s5 =	sld [smem:$0x3FB3]  }
0x2b: {  	s6 =	sld [smem:$0x3FB4]  }
0x2c: {  	s7 =	sld [smem:$0x3FB5]  }
0x2d: {  	s3 =	simm.s32 $0x108;
	s8 =	sld [smem:$0x3FB6]  }
0x2e: {  	s3 =	simm.s32 @!p0 $0x1082;
	s9 =	sld [smem:$0x3FB7]  }
0x2f: {  	lr =	sadd.s32 s0, s3;
	s0 =	sld [smem:$0x3FAE]  }
0x30: {  	s3 =	sld [smem:$0x3FB1]  }
0x31: {  	[smem:$0x3FBA] =	sst s10  }
0x32: {  	s10 =	sld [smem:$0x3FB8];
	_ =	sdelay $0x3  }
0x33: {  	p0 =	seq.s32 s10, $0x1;
	s10 =	sld [smem:$0x3FBA];
	_ =	sdelay $0x3  }
0x34: {  	[smem:$0x3FBA] =	sst s10  }
0x35: {  	s10 =	sld [smem:$0x3FB9];
	_ =	sdelay $0x3  }
0x36: {  	p1 =	seq.s32 s10, $0x1;
	s10 =	sld [smem:$0x3FBA];
	_ =	sdelay $0x3  }
0x37: {  	[smem:$0x3FBA] =	sst s10  }
0x38: {  	s10 =	sld [smem:$0x3FBB]  }
0x39: {  	_ = 	snop;
	(pc) =	sbr.ind lr, $3  }
0x3a: {  	_ = 	snop  }
0x3b: {  	_ = 	snop  }
0x3c: {  	p2 =	seq.s32 s10, $0x1;
	s10 =	sld [smem:$0x3FBA]  }
0x3d: {  	_ =	shalt  }
0x3e: {  	_ =	shalt  }
0x3f: {  	_ =	shalt  }
0x40: {  	_ =	shalt  }
0x41: {  	_ =	shalt  }
0x42: {  	_ =	shalt  }
0x43: {  	_ =	shalt  }
0x44: {  	_ =	shalt  }
0x45: {  	_ =	shalt  }
0x46: {  	_ =	shalt  }
0x47: {  	_ =	shalt  }
0x48: {  	_ =	shalt  }
0x49: {  	_ =	shalt  }
0x4a: {  	_ =	shalt  }
0x4b: {  	_ =	shalt  }
0x4c: {  	_ =	shalt  }
0x4d: {  	_ =	shalt  }
0x4e: {  	_ =	shalt  }
0x4f: {  	_ =	shalt  }
0x50: {  	_ =	shalt  }
0x51: {  	_ =	shalt  }
0x52: {  	_ =	shalt  }
0x53: {  	_ =	shalt  }
0x54: {  	_ =	shalt  }
0x55: {  	_ =	shalt  }
0x56: {  	_ =	shalt  }
0x57: {  	_ =	shalt  }
0x58: {  	_ =	shalt  }
0x59: {  	_ =	shalt  }
0x5a: {  	_ =	shalt  }
0x5b: {  	_ =	shalt  }
0x5c: {  	_ =	shalt  }
0x5d: {  	_ =	shalt  }
0x5e: {  	_ =	shalt  }
0x5f: {  	_ =	shalt  }
0x60: {  	_ =	shalt  }
0x61: {  	_ =	shalt  }
0x62: {  	_ =	shalt  }
0x63: {  	_ =	shalt  }
0x64: {  	_ =	shalt  }
0x65: {  	_ =	shalt  }
0x66: {  	_ =	shalt  }
0x67: {  	_ =	shalt  }
0x68: {  	_ =	shalt  }
0x69: {  	_ =	shalt  }
0x6a: {  	_ =	shalt  }
0x6b: {  	_ =	shalt  }
0x6c: {  	_ =	shalt  }
0x6d: {  	_ =	shalt  }
0x6e: {  	_ =	shalt  }
0x6f: {  	_ =	shalt  }
0x70: {  	_ =	shalt  }
0x71: {  	_ =	shalt  }
0x72: {  	_ =	shalt  }
0x73: {  	_ =	shalt  }
0x74: {  	_ =	shalt  }
0x75: {  	_ =	shalt  }
0x76: {  	_ =	shalt  }
0x77: {  	_ =	shalt  }
0x78: {  	_ =	shalt  }
0x79: {  	_ =	shalt  }
0x7a: {  	_ =	shalt  }
0x7b: {  	_ =	shalt  }
0x7c: {  	_ =	shalt  }
0x7d: {  	_ =	shalt  }
0x7e: {  	_ =	shalt  }
0x7f: {  	_ =	shalt  }
0x80: {  	_ =	shalt  }
0x81: {  	_ =	shalt  }
0x82: {  	_ =	shalt  }
0x83: {  	_ =	shalt  }
0x84: {  	_ =	shalt  }
0x85: {  	_ =	shalt  }
0x86: {  	_ =	shalt  }
0x87: {  	_ =	shalt  }
.Lfunc_end0:
.L_simem_size_0:
called_computation.1_lowered:
.L_overlay_start_0:
0x88: {  	s2 =	sld [smem:$0x3FD9]  }
0x89: {  	s3 =	sld [smem:$0x3FFE];
	_ =	sdelay $0x1  }
0x8a: {  	s1 =	srdreg.scid  }
0x8b: {  	s0 =	sand.u32 $0x1, s1  }
0x8c: {  	s14 =	sshll.u32 s0, $0xA;
	s2 =	sadd.s32 s3, s2  }
0x8d: {  	s2 =	sadd.s32 s2, s14  }
0x8e: {  	[smem:$0x3FC6] =	sst s2  }
0x8f: {  	_ = 	snop  }
0x90: {  	s2 =	sld [smem:$0x3FD0];
	_ =	sdelay $0x2  }
0x91: {  	s15 =	simm.s32 $0xA;
	s4 =	simm.s32 $0x10  }
0x92: {  	[smem:s4], [sflag:s15] =	dma.local [hbm:s2], $0x1  }
0x93: {  	_ =	swait.eq [sflag:s15], $0x1  }
0x94: {  	s16 =	sld [smem:$0x10];
	[sflag:s15] =	ssyncset.done $0x0  }
0x95: {  	s17 =	sld [smem:$0x11];
	[sflag:s15] =	ssyncadd.s32 $0xFFFFFFFF  }
0x96: {  	s18 =	sld [smem:$0x12];
	(tm) =	ssettm $0x1  }
0x97: {  	s5 =	sld [smem:$0x3FFB];
	_ =	sdelay $0x3  }
0x98: {  	_ =	strace s5  }
0x99: {  	s5 =	sld [smem:$0x3FFC];
	_ =	sdelay $0x3  }
0x9a: {  	_ =	strace s5  }
0x9b: {  	s5 =	sld [smem:$0x3FFD];
	_ =	sdelay $0x3  }
0x9c: {  	_ =	strace s5  }
0x9d: {  	_ =	strace $0x8FFFFFFF  }
0x9e: {  	s19 =	sld [smem:$0x3FDB];
	_ =	sdelay $0x1  }
0x9f: {  	s6 =	simm.s32 $_scs_section_size  }
0xa0: {  	s7 =	simm.s32 $_size__tile_overlayer_lowered;
	s8 =	simm.s32 $_tile_overlayer_lowered  }
0xa1: {  	s22 =	simm.s32 $0x1BFF;
	s21 =	sshll.u32 s8, $0x1;
	s5 =	sadd.s32 s6, s19  }
0xa2: {  	s9 =	simm.s32 $0x0;
	s20 =	sshll.u32 s7, $0x1;
	s7 =	sadd.s32 s21, s5  }
0xa3: {  	[timem:s9], [sflag:s22] =	dma.local [hbm:s7], s20  }
0xa4: {  	_ =	swait.ge [sflag:s22], s20  }
0xa5: {  	s6 =	ssub.s32 $0x0, s20;
	[sflag:s22] =	ssyncset.done $0x0  }
0xa6: {  	[sflag:s22] =	ssyncadd.s32 s6;
	_ =	sdelay $0x1  }
0xa7: {  	s23 =	simm.s32 $0x1B8B  }
0xa8: {  	_ =	swait.ge [sflag:s23], $0x1  }
0xa9: {  	[sflag:s23] =	ssyncset.done $0x0  }
0xaa: {  	s25 =	simm.s32 $0x1B8E;
	s24 =	sld [smem:$0x3FFE];
	[sflag:s23] =	ssyncadd.s32 $0xFFFFFFFF  }
0xab: {  	s26 =	simm.s32 $execute0_lowered;
	[smem:$0x3FD2] =	sst s25  }
0xac: {  	s7 =	sshll.u32 s26, $0x1;
	_ =	strace $0x80000046;
	[dreg:$0x1] =	wrdreg $0xFFFFFFFF  }
0xad: {  	s28 =	simm.s32 $_size_execute0_lowered;
	s5 =	sadd.s32 s5, s7;
	[dreg:$0x0] =	wrdreg $0x0  }
0xae: {  	s7 =	sshll.u32 s28, $0x1;
	[dreg:$0x2] =	wrdreg s5  }
0xaf: {  	[dreg:$0x3] =	wrdreg s7  }
0xb0: {  	[dreg:$0x4] =	wrdreg $0xC0  }
0xb1: {  	_ =	task [dreg:s9], $0x5FFFF  }
0xb2: {  	[dreg:$0x1] =	wrdreg $0xFFFFFFFF  }
0xb3: {  	[dreg:$0x0] =	wrdreg $0x60  }
0xb4: {  	[dreg:$0x2] =	wrdreg s24  }
0xb5: {  	[dreg:$0x3] =	wrdreg s16  }
0xb6: {  	[dreg:$0x4] =	wrdreg s17  }
0xb7: {  	[dreg:$0x5] =	wrdreg s18  }
0xb8: {  	[dreg:$0x6] =	wrdreg $0x9  }
0xb9: {  	_ =	task.clear_ibuf [dreg:s9], $0x7FFFF;
	_ =	strace $0x90000046  }
0xba: {  	s29 =	simm.s32 $0x9;
	_ =	strace $0x80000048  }
0xbb: {  	_ =	swait.ge [sflag:s29], $0x1  }
0xbc: {  	[sflag:s29] =	ssyncadd.s32 $0xFFFFFFFF  }
0xbd: {  	_ =	strace $0x90000048  }
0xbe: {  	_ =	sfence  }
0xbf: {  	s30 =	sld [smem:$0x0];
	_ =	sdelay $0x2  }
0xc0: {  	s31 =	sshll.u32 s1, $0xD;
	s1 =	sshrl.u32 s1, $0x2  }
0xc1: {  	s3 =	sand.u32 $0x4000, s31;
	s1 =	sadd.s32 s1, s30  }
0xc2: {  	s0 =	sor.u32 s3, s0;
	s1 =	sshll.u32 s1, $0x11  }
0xc3: {  	s0 =	sor.u32 s1, s0  }
0xc4: {  	s0 =	sadd.s32 $0x8F2B, s0  }
0xc5: {  	[sflag:s0] =	ssyncadd.remote.s32 $0x1  }
0xc6: {  	_ =	sfence.sel $0xFFFF  }
0xc7: {  	[dreg:$0x0] =	wrdreg $0xFFFFFFFF;
	(pc) =	sbr.abs _section_cstart, $3  }
0xc8: {  	[dreg:$0x1] =	wrdreg $0xFFFFFFFF  }
0xc9: {  	_ =	task.clear_ibuf [dreg:s9], $0x2FFFF;
	_ =	strace $0x9FFFFFFF  }
0xca: {  	(tm) =	ssettm $0x7FFFFFFF  }
0xcb: {  	_ =	shalt  }
tec
execute0_lowered:
.L_overlay_start_1:
0x0: {  	(tag) =	ssettag $0x1  }
0x1: {  	s0 =	rddreg [dreg:$0x0]  }
0x2: {  	s1 =	srdreg.scid;
	s3 =	rddreg [dreg:$0x1]  }
0x3: {  	s2 =	stileid.u32;
	s4 =	rddreg [dreg:$0x2]  }
0x4: {  	s6 =	rddreg [dreg:$0x3];
	s11 =	simm.s32 $0x0;
	s30 =	simm.s32 $0x400  }
0x5: {  	s29 =	simm.s32 $0x600;
	s28 =	simm.s32 $0x800;
	s26 =	simm.s32 $0xA00  }
0x6: {  	s24 =	simm.s32 $0xC00;
	s31 =	simm.s32 $0x7;
	s1 =	sand.u32 $0x1, s1  }
0x7: {  	p0 =	por $0x0, $0x0;
	s2 =	sshll.u32 s2, $0xA;
	s5 =	sshll.u32 s1, $0x9  }
0x8: {  	[smem:$0x7FF] =	sst s11;
	s1 =	ssub.s32 $0x2, s1;
	s5 =	sor.u32 s5, s2  }
0x9: {  	_ =	strace $0x80000047;
	s21 =	sshrl.u32 s1, $0x1;
	s2 =	sshrl.u32 s5, $0x3  }
0xa: {  	s17 =	sshll.u32 s5, $0x3;
	s19 =	sshll.u32 s5, $0x6;
	s1 =	ssub.s32 s1, s21  }
0xb: {  	s7 =	sadd.s32 s2, s0;
	s18 =	sadd.s32 s3, s17;
	s20 =	sadd.s32 s4, s17  }
0xc: {  	s25 =	sadd.s32 s6, s19;
	s23 =	smax.u32 s1, $0x1;
	s4 =	simm.s32 $0x200  }
0xd: {  	s19 =	simm.s32 $0x9400;
	s2 =	sadd.s32 $0x5A00, s7;
	[dreg:$0xf] =	wrdreg s18  }
0xe: {  	s8 =	sadd.s32 $0x5200, s7;
	s9 =	sadd.s32 $0x4A00, s7;
	[dreg:$0x10] =	wrdreg s20  }
0xf: {  	s10 =	sadd.s32 $0x4200, s7;
	s12 =	sadd.s32 $0x3A00, s7;
	[dreg:$0x5] =	wrdreg s2  }
0x10: {  	s13 =	sadd.s32 $0x3200, s7;
	s14 =	sadd.s32 $0x2200, s7;
	[dreg:$0x6] =	wrdreg s8  }
0x11: {  	s15 =	sadd.s32 $0x1A00, s7;
	s16 =	sadd.s32 $0x1200, s7;
	[dreg:$0x7] =	wrdreg s9  }
0x12: {  	s22 =	sadd.s32 $0x8, s25;
	s21 =	sadd.s32 $0x10, s25;
	[dreg:$0x8] =	wrdreg s10  }
0x13: {  	s17 =	sadd.s32 $0x18, s25;
	s6 =	sadd.s32 $0x28, s25;
	[dreg:$0x9] =	wrdreg s12  }
0x14: {  	s5 =	sadd.s32 $0x30, s25;
	s3 =	sadd.s32 $0x38, s25;
	[dreg:$0xa] =	wrdreg s13  }
0x15: {  	s18 =	simm.s32 $0x1000;
	p1 =	sne.s32 s23, $0x1;
	[dreg:$0xc] =	wrdreg s14  }
0x16: {  	s1 =	sadd.s32 $0xFFFFFFFF, s23;
	s23 =	simm.s32 $0x2;
	[dreg:$0xd] =	wrdreg s15  }
0x17: {  	s20 =	simm.s32 $0x3;
	s8 =	sadd.s32 $0x2A00, s7;
	[dreg:$0xe] =	wrdreg s16  }
.Ltmp0:
0x18: {  	s2 =	sadd.s32 $0xF48600, s0;
	[dreg:$0x11] =	wrdreg s22;
	(pc) =	sbr.rel @!p1 .LBB2_3-.Ltmp0, $4  }
0x19: {  	s10 =	sadd.s32 $0x20, s25;
	s22 =	simm.s32 $0xE00;
	s12 =	simm.s32 $0x1200  }
0x1a: {  	s9 =	simm.s32 $0x1;
	s14 =	simm.s32 $0x11400;
	s7 =	simm.s32 $0x4  }
0x1b: {  	s16 =	simm.s32 $0x40;
	s15 =	simm.s32 $0x5;
	[dreg:$0xb] =	wrdreg s8  }
0x1c: {  	s13 =	simm.s32 $0x6;
	s8 =	simm.s32 $0x1400;
	s0 =	rddreg [dreg:$0x5]  }
0x1d: {  	[dreg:$0x12] =	wrdreg s1  }
0x1e: {  	[tilespmem:s11], [sflag:$0x7] =	stream.linear.gather [hbm4b:s0+s11], $0x200, $0x38;
	[tilespmem:$0x19400] =	vst v63  }
0x1f: {  	s1 =	rddreg [dreg:$0x6]  }
0x20: {  	[tilespmem:s4], [sflag:$0x7] =	stream.linear.gather [hbm4b:s1+s11], $0x200, $0x38;
	[tilespmem:$0x19400] =	vst v63  }
0x21: {  	s0 =	rddreg [dreg:$0x7]  }
0x22: {  	[tilespmem:s30], [sflag:$0x7] =	stream.linear.gather [hbm4b:s0+s11], $0x200, $0x38;
	[tilespmem:$0x19400] =	vst v63  }
0x23: {  	s1 =	rddreg [dreg:$0x8]  }
0x24: {  	[tilespmem:s29], [sflag:$0x7] =	stream.linear.gather [hbm4b:s1+s11], $0x200, $0x38;
	[tilespmem:$0x19400] =	vst v63  }
0x25: {  	s0 =	rddreg [dreg:$0x9]  }
0x26: {  	[tilespmem:s28], [sflag:$0x7] =	stream.linear.gather [hbm4b:s0+s11], $0x200, $0x38;
	[tilespmem:$0x19400] =	vst v63  }
0x27: {  	s1 =	rddreg [dreg:$0xa]  }
0x28: {  	[tilespmem:s26], [sflag:$0x7] =	stream.linear.gather [hbm4b:s1+s11], $0x200, $0x38;
	[tilespmem:$0x19400] =	vst v63  }
0x29: {  	s0 =	rddreg [dreg:$0xb]  }
0x2a: {  	[tilespmem:s24], [sflag:$0x7] =	stream.linear.gather [hbm4b:s0+s11], $0x200, $0x38;
	[tilespmem:$0x19400] =	vst v63  }
0x2b: {  	s1 =	rddreg [dreg:$0xc]  }
0x2c: {  	[tilespmem:s22], [sflag:$0x7] =	stream.linear.gather [hbm4b:s1+s11], $0x200, $0x38;
	[tilespmem:$0x19400] =	vst v63  }
0x2d: {  	s0 =	rddreg [dreg:$0xd]  }
0x2e: {  	[tilespmem:s18], [sflag:$0x7] =	stream.linear.gather [hbm4b:s0+s11], $0x200, $0x38;
	[tilespmem:$0x19400] =	vst v63  }
0x2f: {  	s1 =	rddreg [dreg:$0xe]  }
0x30: {  	[tilespmem:s12], [sflag:$0x7] =	stream.linear.gather [hbm4b:s1+s11], $0x200, $0x38;
	[tilespmem:$0x19400] =	vst v63  }
0x31: {  	_ =	swait.ge [sflag:s31], $0x200  }
0x32: {  	[sflag:s31] =	ssyncset.done $0x0  }
0x33: {  	[sflag:s31] =	ssyncadd.s32 $0xFFFFFE00  }
0x34: {  	_ =	swait.ge [sflag:s31], $0x200  }
0x35: {  	[sflag:s31] =	ssyncset.done $0x0  }
0x36: {  	[sflag:s31] =	ssyncadd.s32 $0xFFFFFE00  }
0x37: {  	_ =	swait.ge [sflag:s31], $0x200  }
0x38: {  	[sflag:s31] =	ssyncset.done $0x0  }
0x39: {  	[sflag:s31] =	ssyncadd.s32 $0xFFFFFE00  }
0x3a: {  	_ =	swait.ge [sflag:s31], $0x200  }
0x3b: {  	[sflag:s31] =	ssyncset.done $0x0  }
0x3c: {  	[sflag:s31] =	ssyncadd.s32 $0xFFFFFE00  }
0x3d: {  	_ =	swait.ge [sflag:s31], $0x200  }
0x3e: {  	[sflag:s31] =	ssyncset.done $0x0  }
0x3f: {  	[sflag:s31] =	ssyncadd.s32 $0xFFFFFE00  }
0x40: {  	_ =	swait.ge [sflag:s31], $0x200  }
0x41: {  	[sflag:s31] =	ssyncset.done $0x0  }
0x42: {  	[sflag:s31] =	ssyncadd.s32 $0xFFFFFE00  }
0x43: {  	_ =	swait.ge [sflag:s31], $0x200  }
0x44: {  	[sflag:s31] =	ssyncset.done $0x0  }
0x45: {  	[sflag:s31] =	ssyncadd.s32 $0xFFFFFE00  }
0x46: {  	_ =	swait.ge [sflag:s31], $0x200  }
0x47: {  	[sflag:s31] =	ssyncset.done $0x0  }
0x48: {  	[sflag:s31] =	ssyncadd.s32 $0xFFFFFE00  }
0x49: {  	_ =	swait.ge [sflag:s31], $0x200  }
0x4a: {  	[sflag:s31] =	ssyncset.done $0x0  }
0x4b: {  	[sflag:s31] =	ssyncadd.s32 $0xFFFFFE00  }
0x4c: {  	_ =	swait.ge [sflag:s31], $0x200  }
0x4d: {  	[sflag:s31] =	ssyncset.done $0x0  }
0x4e: {  	[sflag:s31] =	ssyncadd.s32 $0xFFFFFE00  }
0x4f: {  	[tilespmem:s8], [sflag:$0x1] =	stream.indirect.gather [hbm4b:s2+s4], $0x40, s11, s4, $0xb8;
	[tilespmem:$0x19400] =	vst v63  }
0x50: {  	_ = 	snop  }
0x51: {  	[tilespmem:s19], [sflag:$0x2] =	stream.indirect.gather [hbm4b:s2+s4], $0x40, s4, s4, $0xb8;
	[tilespmem:$0x19400] =	vst v63  }
0x52: {  	_ =	swait.ge [sflag:s9], $0x8000  }
0x53: {  	[sflag:s9] =	ssyncset.done $0x0  }
0x54: {  	s1 =	rddreg [dreg:$0xf];
	[sflag:s9] =	ssyncadd.s32 $0xFFFF8000  }
0x55: {  	[hbm4b:s1+s11] =	stream.linear.scatter [tilespmem:s8], [sflag:$0x4], $0x8000, $0x38;
	[tilespmem:$0x19400] =	vst v63  }
0x56: {  	_ = 	snop  }
0x57: {  	[tilespmem:s14], [sflag:$0x3] =	stream.indirect.gather [hbm4b:s2+s4], $0x40, s30, s4, $0xb8;
	[tilespmem:$0x19400] =	vst v63  }
0x58: {  	_ =	swait.ge [sflag:s23], $0x8000  }
0x59: {  	[sflag:s23] =	ssyncset.done $0x0  }
0x5a: {  	s1 =	rddreg [dreg:$0x10];
	[sflag:s23] =	ssyncadd.s32 $0xFFFF8000  }
0x5b: {  	[hbm4b:s1+s11] =	stream.linear.scatter [tilespmem:s19], [sflag:$0x5], $0x8000, $0x38;
	[tilespmem:$0x19400] =	vst v63  }
0x5c: {  	_ =	swait.ge [sflag:s7], $0x8000  }
0x5d: {  	[sflag:s7] =	ssyncset.done $0x0  }
0x5e: {  	[sflag:s7] =	ssyncadd.s32 $0xFFFF8000  }
0x5f: {  	[tilespmem:s8], [sflag:$0x1] =	stream.indirect.gather [hbm4b:s2+s4], $0x40, s29, s4, $0xb8;
	[tilespmem:$0x19400] =	vst v63  }
0x60: {  	_ =	swait.ge [sflag:s20], $0x8000  }
0x61: {  	[sflag:s20] =	ssyncset.done $0x0  }
0x62: {  	[sflag:s20] =	ssyncadd.s32 $0xFFFF8000  }
0x63: {  	[hbm4b:s25+s16] =	stream.strided.scatter [tilespmem:s14], [sflag:$0x6], $0x8000, s4, s16, $0x38;
	[tilespmem:$0x19400] =	vst v63  }
0x64: {  	_ =	swait.ge [sflag:s15], $0x8000  }
0x65: {  	[sflag:s15] =	ssyncset.done $0x0  }
0x66: {  	[sflag:s15] =	ssyncadd.s32 $0xFFFF8000  }
0x67: {  	[tilespmem:s19], [sflag:$0x2] =	stream.indirect.gather [hbm4b:s2+s4], $0x40, s28, s4, $0xb8;
	[tilespmem:$0x19400] =	vst v63  }
0x68: {  	_ =	swait.ge [sflag:s9], $0x8000  }
0x69: {  	[sflag:s9] =	ssyncset.done $0x0  }
0x6a: {  	s1 =	rddreg [dreg:$0x11];
	[sflag:s9] =	ssyncadd.s32 $0xFFFF8000  }
0x6b: {  	[hbm4b:s1+s16] =	stream.strided.scatter [tilespmem:s8], [sflag:$0x4], $0x8000, s4, s16, $0x38;
	[tilespmem:$0x19400] =	vst v63  }
0x6c: {  	_ =	swait.ge [sflag:s13], $0x8000  }
0x6d: {  	[sflag:s13] =	ssyncset.done $0x0  }
0x6e: {  	[sflag:s13] =	ssyncadd.s32 $0xFFFF8000  }
0x6f: {  	[tilespmem:s14], [sflag:$0x3] =	stream.indirect.gather [hbm4b:s2+s4], $0x40, s26, s4, $0xb8;
	[tilespmem:$0x19400] =	vst v63  }
0x70: {  	_ =	swait.ge [sflag:s23], $0x8000  }
0x71: {  	[sflag:s23] =	ssyncset.done $0x0  }
0x72: {  	[sflag:s23] =	ssyncadd.s32 $0xFFFF8000  }
0x73: {  	[hbm4b:s21+s16] =	stream.strided.scatter [tilespmem:s19], [sflag:$0x5], $0x8000, s4, s16, $0x38;
	[tilespmem:$0x19400] =	vst v63  }
0x74: {  	_ =	swait.ge [sflag:s7], $0x8000  }
0x75: {  	[sflag:s7] =	ssyncset.done $0x0  }
0x76: {  	[sflag:s7] =	ssyncadd.s32 $0xFFFF8000  }
0x77: {  	[tilespmem:s8], [sflag:$0x1] =	stream.indirect.gather [hbm4b:s2+s4], $0x40, s24, s4, $0xb8;
	[tilespmem:$0x19400] =	vst v63  }
0x78: {  	_ =	swait.ge [sflag:s20], $0x8000  }
0x79: {  	[sflag:s20] =	ssyncset.done $0x0  }
0x7a: {  	[sflag:s20] =	ssyncadd.s32 $0xFFFF8000  }
0x7b: {  	[hbm4b:s17+s16] =	stream.strided.scatter [tilespmem:s14], [sflag:$0x6], $0x8000, s4, s16, $0x38;
	[tilespmem:$0x19400] =	vst v63  }
0x7c: {  	_ =	swait.ge [sflag:s15], $0x8000  }
0x7d: {  	[sflag:s15] =	ssyncset.done $0x0  }
0x7e: {  	[sflag:s15] =	ssyncadd.s32 $0xFFFF8000  }
0x7f: {  	[tilespmem:s19], [sflag:$0x2] =	stream.indirect.gather [hbm4b:s2+s4], $0x40, s22, s4, $0xb8;
	[tilespmem:$0x19400] =	vst v63  }
0x80: {  	_ =	swait.ge [sflag:s9], $0x8000  }
0x81: {  	[sflag:s9] =	ssyncset.done $0x0  }
0x82: {  	[sflag:s9] =	ssyncadd.s32 $0xFFFF8000  }
0x83: {  	[hbm4b:s10+s16] =	stream.strided.scatter [tilespmem:s8], [sflag:$0x4], $0x8000, s4, s16, $0x38;
	[tilespmem:$0x19400] =	vst v63  }
0x84: {  	_ =	swait.ge [sflag:s13], $0x8000  }
0x85: {  	[sflag:s13] =	ssyncset.done $0x0  }
0x86: {  	[sflag:s13] =	ssyncadd.s32 $0xFFFF8000  }
0x87: {  	[tilespmem:s14], [sflag:$0x3] =	stream.indirect.gather [hbm4b:s2+s4], $0x40, s18, s4, $0xb8;
	[tilespmem:$0x19400] =	vst v63  }
0x88: {  	_ =	swait.ge [sflag:s23], $0x8000  }
0x89: {  	[sflag:s23] =	ssyncset.done $0x0  }
0x8a: {  	[sflag:s23] =	ssyncadd.s32 $0xFFFF8000  }
0x8b: {  	[hbm4b:s6+s16] =	stream.strided.scatter [tilespmem:s19], [sflag:$0x5], $0x8000, s4, s16, $0x38;
	[tilespmem:$0x19400] =	vst v63  }
0x8c: {  	_ =	swait.ge [sflag:s7], $0x8000  }
0x8d: {  	[sflag:s7] =	ssyncset.done $0x0  }
0x8e: {  	[sflag:s7] =	ssyncadd.s32 $0xFFFF8000  }
0x8f: {  	[tilespmem:s8], [sflag:$0x1] =	stream.indirect.gather [hbm4b:s2+s4], $0x40, s12, s4, $0xb8;
	[tilespmem:$0x19400] =	vst v63  }
0x90: {  	_ =	swait.ge [sflag:s20], $0x8000  }
0x91: {  	[sflag:s20] =	ssyncset.done $0x0  }
0x92: {  	[sflag:s20] =	ssyncadd.s32 $0xFFFF8000  }
0x93: {  	[hbm4b:s5+s16] =	stream.strided.scatter [tilespmem:s14], [sflag:$0x6], $0x8000, s4, s16, $0x38;
	[tilespmem:$0x19400] =	vst v63  }
0x94: {  	_ =	swait.ge [sflag:s9], $0x8000  }
0x95: {  	[sflag:s9] =	ssyncset.done $0x0  }
0x96: {  	[sflag:s9] =	ssyncadd.s32 $0xFFFF8000  }
0x97: {  	[hbm4b:s3+s16] =	stream.strided.scatter [tilespmem:s8], [sflag:$0x4], $0x8000, s4, s16, $0x38;
	[tilespmem:$0x19400] =	vst v63  }
0x98: {  	_ =	swait.ge [sflag:s15], $0x8000  }
0x99: {  	[sflag:s15] =	ssyncset.done $0x0  }
0x9a: {  	[sflag:s15] =	ssyncadd.s32 $0xFFFF8000  }
0x9b: {  	_ =	swait.ge [sflag:s13], $0x8000  }
0x9c: {  	s1 =	rddreg [dreg:$0x12]  }
0x9d: {  	p1 =	sne.s32 s1, $0x1  }
.Ltmp1:
0x9e: {  	_ = 	snop;
	(pc) =	sbr.rel @!p1 .LBB2_3-.Ltmp1, $4  }
0x9f: {  	[sflag:s13] =	ssyncset.done $0x0  }
0xa0: {  	[sflag:s13] =	ssyncadd.s32 $0xFFFF8000  }
0xa1: {  	p0 =	por $0x1, $0x1;
	_ =	swait.ge [sflag:s7], $0x8000  }
0xa2: {  	s1 =	sadd.s32 $0xFFFFFFFF, s1;
	s0 =	rddreg [dreg:$0x5];
	[sflag:s7] =	ssyncset.done $0x0  }
.LBB2_2:
0xa3: {  	[sflag:s7] =	ssyncadd.s32 $0xFFFF8000;
	s12 =	smov.u32 s10;
	s10 =	smov.u32 s6  }
0xa4: {  	[tilespmem:s11], [sflag:$0x7] =	stream.linear.gather [hbm4b:s0+s11], $0x200, $0x38;
	[tilespmem:$0x19400] =	vst v63  }
0xa5: {  	s6 =	smov.u32 s5;
	s5 =	smov.u32 s3;
	s3 =	rddreg [dreg:$0x6]  }
0xa6: {  	[tilespmem:s4], [sflag:$0x7] =	stream.linear.gather [hbm4b:s3+s11], $0x200, $0x38;
	[tilespmem:$0x19400] =	vst v63  }
0xa7: {  	s14 =	simm.s32 $0x400;
	s0 =	rddreg [dreg:$0x7]  }
0xa8: {  	[tilespmem:s14], [sflag:$0x7] =	stream.linear.gather [hbm4b:s0+s11], $0x200, $0x38;
	[tilespmem:$0x19400] =	vst v63  }
0xa9: {  	s30 =	simm.s32 $0x600;
	s3 =	rddreg [dreg:$0x8]  }
0xaa: {  	[tilespmem:s30], [sflag:$0x7] =	stream.linear.gather [hbm4b:s3+s11], $0x200, $0x38;
	[tilespmem:$0x19400] =	vst v63  }
0xab: {  	s29 =	simm.s32 $0x800;
	s0 =	rddreg [dreg:$0x9]  }
0xac: {  	[tilespmem:s29], [sflag:$0x7] =	stream.linear.gather [hbm4b:s0+s11], $0x200, $0x38;
	[tilespmem:$0x19400] =	vst v63  }
0xad: {  	s28 =	simm.s32 $0xA00;
	s3 =	rddreg [dreg:$0xa]  }
0xae: {  	[tilespmem:s28], [sflag:$0x7] =	stream.linear.gather [hbm4b:s3+s11], $0x200, $0x38;
	[tilespmem:$0x19400] =	vst v63  }
0xaf: {  	s26 =	simm.s32 $0xC00;
	s0 =	rddreg [dreg:$0xb]  }
0xb0: {  	[tilespmem:s26], [sflag:$0x7] =	stream.linear.gather [hbm4b:s0+s11], $0x200, $0x38;
	[tilespmem:$0x19400] =	vst v63  }
0xb1: {  	s24 =	simm.s32 $0xE00;
	s3 =	rddreg [dreg:$0xc]  }
0xb2: {  	[tilespmem:s24], [sflag:$0x7] =	stream.linear.gather [hbm4b:s3+s11], $0x200, $0x38;
	[tilespmem:$0x19400] =	vst v63  }
0xb3: {  	s22 =	simm.s32 $0x1000;
	s0 =	rddreg [dreg:$0xd]  }
0xb4: {  	[tilespmem:s22], [sflag:$0x7] =	stream.linear.gather [hbm4b:s0+s11], $0x200, $0x38;
	[tilespmem:$0x19400] =	vst v63  }
0xb5: {  	s18 =	simm.s32 $0x1200;
	s3 =	rddreg [dreg:$0xe]  }
0xb6: {  	[tilespmem:s18], [sflag:$0x7] =	stream.linear.gather [hbm4b:s3+s11], $0x200, $0x38;
	[tilespmem:$0x19400] =	vst v63  }
0xb7: {  	_ =	swait.ge [sflag:s31], $0x200  }
0xb8: {  	[sflag:s31] =	ssyncset.done $0x0  }
0xb9: {  	[sflag:s31] =	ssyncadd.s32 $0xFFFFFE00  }
0xba: {  	_ =	swait.ge [sflag:s31], $0x200  }
0xbb: {  	[sflag:s31] =	ssyncset.done $0x0  }
0xbc: {  	[sflag:s31] =	ssyncadd.s32 $0xFFFFFE00  }
0xbd: {  	_ =	swait.ge [sflag:s31], $0x200  }
0xbe: {  	[sflag:s31] =	ssyncset.done $0x0  }
0xbf: {  	[sflag:s31] =	ssyncadd.s32 $0xFFFFFE00  }
0xc0: {  	_ =	swait.ge [sflag:s31], $0x200  }
0xc1: {  	[sflag:s31] =	ssyncset.done $0x0  }
0xc2: {  	[sflag:s31] =	ssyncadd.s32 $0xFFFFFE00  }
0xc3: {  	_ =	swait.ge [sflag:s31], $0x200  }
0xc4: {  	[sflag:s31] =	ssyncset.done $0x0  }
0xc5: {  	[sflag:s31] =	ssyncadd.s32 $0xFFFFFE00  }
0xc6: {  	_ =	swait.ge [sflag:s31], $0x200  }
0xc7: {  	[sflag:s31] =	ssyncset.done $0x0  }
0xc8: {  	[sflag:s31] =	ssyncadd.s32 $0xFFFFFE00  }
0xc9: {  	_ =	swait.ge [sflag:s31], $0x200  }
0xca: {  	[sflag:s31] =	ssyncset.done $0x0  }
0xcb: {  	[sflag:s31] =	ssyncadd.s32 $0xFFFFFE00  }
0xcc: {  	_ =	swait.ge [sflag:s31], $0x200  }
0xcd: {  	[sflag:s31] =	ssyncset.done $0x0  }
0xce: {  	[sflag:s31] =	ssyncadd.s32 $0xFFFFFE00  }
0xcf: {  	_ =	swait.ge [sflag:s31], $0x200  }
0xd0: {  	[sflag:s31] =	ssyncset.done $0x0  }
0xd1: {  	[sflag:s31] =	ssyncadd.s32 $0xFFFFFE00  }
0xd2: {  	_ =	swait.ge [sflag:s31], $0x200  }
0xd3: {  	[sflag:s31] =	ssyncset.done $0x0  }
0xd4: {  	[sflag:s31] =	ssyncadd.s32 $0xFFFFFE00  }
0xd5: {  	[tilespmem:s8], [sflag:$0x1] =	stream.indirect.gather [hbm4b:s2+s4], $0x40, s11, s4, $0xb8;
	[tilespmem:$0x19400] =	vst v63  }
0xd6: {  	_ = 	snop  }
0xd7: {  	[tilespmem:s19], [sflag:$0x2] =	stream.indirect.gather [hbm4b:s2+s4], $0x40, s4, s4, $0xb8;
	[tilespmem:$0x19400] =	vst v63  }
0xd8: {  	_ =	swait.ge [sflag:s9], $0x8000  }
0xd9: {  	[sflag:s9] =	ssyncset.done $0x0  }
0xda: {  	s0 =	rddreg [dreg:$0xf];
	[sflag:s9] =	ssyncadd.s32 $0xFFFF8000  }
0xdb: {  	[hbm4b:s0+s11] =	stream.linear.scatter [tilespmem:s8], [sflag:$0x4], $0x8000, $0x38;
	[tilespmem:$0x19400] =	vst v63  }
0xdc: {  	s14 =	simm.s32 $0x11400;
	s30 =	simm.s32 $0x400  }
0xdd: {  	[tilespmem:s14], [sflag:$0x3] =	stream.indirect.gather [hbm4b:s2+s4], $0x40, s30, s4, $0xb8;
	[tilespmem:$0x19400] =	vst v63  }
0xde: {  	_ =	swait.ge [sflag:s23], $0x8000  }
0xdf: {  	[sflag:s23] =	ssyncset.done $0x0  }
0xe0: {  	s0 =	rddreg [dreg:$0x10];
	[sflag:s23] =	ssyncadd.s32 $0xFFFF8000  }
0xe1: {  	[hbm4b:s0+s11] =	stream.linear.scatter [tilespmem:s19], [sflag:$0x5], $0x8000, $0x38;
	[tilespmem:$0x19400] =	vst v63  }
0xe2: {  	_ =	swait.ge [sflag:s7], $0x8000  }
0xe3: {  	[sflag:s7] =	ssyncset.done $0x0  }
0xe4: {  	s29 =	simm.s32 $0x600;
	[sflag:s7] =	ssyncadd.s32 $0xFFFF8000  }
0xe5: {  	[tilespmem:s8], [sflag:$0x1] =	stream.indirect.gather [hbm4b:s2+s4], $0x40, s29, s4, $0xb8;
	[tilespmem:$0x19400] =	vst v63  }
0xe6: {  	_ =	swait.ge [sflag:s20], $0x8000  }
0xe7: {  	[sflag:s20] =	ssyncset.done $0x0  }
0xe8: {  	[sflag:s20] =	ssyncadd.s32 $0xFFFF8000  }
0xe9: {  	[hbm4b:s25+s16] =	stream.strided.scatter [tilespmem:s14], [sflag:$0x6], $0x8000, s4, s16, $0x38;
	[tilespmem:$0x19400] =	vst v63  }
0xea: {  	_ =	swait.ge [sflag:s15], $0x8000  }
0xeb: {  	[sflag:s15] =	ssyncset.done $0x0  }
0xec: {  	s28 =	simm.s32 $0x800;
	[sflag:s15] =	ssyncadd.s32 $0xFFFF8000  }
0xed: {  	[tilespmem:s19], [sflag:$0x2] =	stream.indirect.gather [hbm4b:s2+s4], $0x40, s28, s4, $0xb8;
	[tilespmem:$0x19400] =	vst v63  }
0xee: {  	_ =	swait.ge [sflag:s9], $0x8000  }
0xef: {  	[sflag:s9] =	ssyncset.done $0x0  }
0xf0: {  	s0 =	rddreg [dreg:$0x11];
	[sflag:s9] =	ssyncadd.s32 $0xFFFF8000  }
0xf1: {  	[hbm4b:s0+s16] =	stream.strided.scatter [tilespmem:s8], [sflag:$0x4], $0x8000, s4, s16, $0x38;
	[tilespmem:$0x19400] =	vst v63  }
0xf2: {  	_ =	swait.ge [sflag:s13], $0x8000  }
0xf3: {  	[sflag:s13] =	ssyncset.done $0x0  }
0xf4: {  	s26 =	simm.s32 $0xA00;
	[sflag:s13] =	ssyncadd.s32 $0xFFFF8000  }
0xf5: {  	[tilespmem:s14], [sflag:$0x3] =	stream.indirect.gather [hbm4b:s2+s4], $0x40, s26, s4, $0xb8;
	[tilespmem:$0x19400] =	vst v63  }
0xf6: {  	_ =	swait.ge [sflag:s23], $0x8000  }
0xf7: {  	[sflag:s23] =	ssyncset.done $0x0  }
0xf8: {  	[sflag:s23] =	ssyncadd.s32 $0xFFFF8000  }
0xf9: {  	[hbm4b:s21+s16] =	stream.strided.scatter [tilespmem:s19], [sflag:$0x5], $0x8000, s4, s16, $0x38;
	[tilespmem:$0x19400] =	vst v63  }
0xfa: {  	_ =	swait.ge [sflag:s7], $0x8000  }
0xfb: {  	[sflag:s7] =	ssyncset.done $0x0  }
0xfc: {  	s24 =	simm.s32 $0xC00;
	[sflag:s7] =	ssyncadd.s32 $0xFFFF8000  }
0xfd: {  	[tilespmem:s8], [sflag:$0x1] =	stream.indirect.gather [hbm4b:s2+s4], $0x40, s24, s4, $0xb8;
	[tilespmem:$0x19400] =	vst v63  }
0xfe: {  	_ =	swait.ge [sflag:s20], $0x8000  }
0xff: {  	[sflag:s20] =	ssyncset.done $0x0  }
0x100: {  	[sflag:s20] =	ssyncadd.s32 $0xFFFF8000  }
0x101: {  	[hbm4b:s17+s16] =	stream.strided.scatter [tilespmem:s14], [sflag:$0x6], $0x8000, s4, s16, $0x38;
	[tilespmem:$0x19400] =	vst v63  }
0x102: {  	_ =	swait.ge [sflag:s15], $0x8000  }
0x103: {  	[sflag:s15] =	ssyncset.done $0x0  }
0x104: {  	s22 =	simm.s32 $0xE00;
	[sflag:s15] =	ssyncadd.s32 $0xFFFF8000  }
0x105: {  	[tilespmem:s19], [sflag:$0x2] =	stream.indirect.gather [hbm4b:s2+s4], $0x40, s22, s4, $0xb8;
	[tilespmem:$0x19400] =	vst v63  }
0x106: {  	_ =	swait.ge [sflag:s9], $0x8000  }
0x107: {  	s3 =	smov.u32 s5;
	s5 =	smov.u32 s6;
	[sflag:s9] =	ssyncset.done $0x0  }
0x108: {  	s6 =	smov.u32 s10;
	s10 =	smov.u32 s12;
	[sflag:s9] =	ssyncadd.s32 $0xFFFF8000  }
0x109: {  	[hbm4b:s10+s16] =	stream.strided.scatter [tilespmem:s8], [sflag:$0x4], $0x8000, s4, s16, $0x38;
	[tilespmem:$0x19400] =	vst v63  }
0x10a: {  	_ =	swait.ge [sflag:s13], $0x8000  }
0x10b: {  	[sflag:s13] =	ssyncset.done $0x0  }
0x10c: {  	s18 =	simm.s32 $0x1000;
	[sflag:s13] =	ssyncadd.s32 $0xFFFF8000  }
0x10d: {  	[tilespmem:s14], [sflag:$0x3] =	stream.indirect.gather [hbm4b:s2+s4], $0x40, s18, s4, $0xb8;
	[tilespmem:$0x19400] =	vst v63  }
0x10e: {  	_ =	swait.ge [sflag:s23], $0x8000  }
0x10f: {  	[sflag:s23] =	ssyncset.done $0x0  }
0x110: {  	[sflag:s23] =	ssyncadd.s32 $0xFFFF8000  }
0x111: {  	[hbm4b:s6+s16] =	stream.strided.scatter [tilespmem:s19], [sflag:$0x5], $0x8000, s4, s16, $0x38;
	[tilespmem:$0x19400] =	vst v63  }
0x112: {  	_ =	swait.ge [sflag:s7], $0x8000  }
0x113: {  	[sflag:s7] =	ssyncset.done $0x0  }
0x114: {  	s12 =	simm.s32 $0x1200;
	[sflag:s7] =	ssyncadd.s32 $0xFFFF8000  }
0x115: {  	[tilespmem:s8], [sflag:$0x1] =	stream.indirect.gather [hbm4b:s2+s4], $0x40, s12, s4, $0xb8;
	[tilespmem:$0x19400] =	vst v63  }
0x116: {  	_ =	swait.ge [sflag:s20], $0x8000  }
0x117: {  	[sflag:s20] =	ssyncset.done $0x0  }
0x118: {  	[sflag:s20] =	ssyncadd.s32 $0xFFFF8000  }
0x119: {  	[hbm4b:s5+s16] =	stream.strided.scatter [tilespmem:s14], [sflag:$0x6], $0x8000, s4, s16, $0x38;
	[tilespmem:$0x19400] =	vst v63  }
0x11a: {  	_ =	swait.ge [sflag:s9], $0x8000  }
0x11b: {  	[sflag:s9] =	ssyncset.done $0x0  }
0x11c: {  	[sflag:s9] =	ssyncadd.s32 $0xFFFF8000  }
0x11d: {  	[hbm4b:s3+s16] =	stream.strided.scatter [tilespmem:s8], [sflag:$0x4], $0x8000, s4, s16, $0x38;
	[tilespmem:$0x19400] =	vst v63  }
0x11e: {  	_ =	swait.ge [sflag:s15], $0x8000  }
0x11f: {  	[sflag:s15] =	ssyncset.done $0x0  }
0x120: {  	p1 =	sne.s32 s1, $0x1;
	[sflag:s15] =	ssyncadd.s32 $0xFFFF8000  }
.Ltmp2:
0x121: {  	_ =	swait.ge [sflag:s13], $0x8000;
	(pc) =	sbr.rel @p1 .LBB2_2-.Ltmp2, $4  }
0x122: {  	[sflag:s13] =	ssyncset.done $0x0  }
0x123: {  	[sflag:s13] =	ssyncadd.s32 $0xFFFF8000  }
0x124: {  	_ =	swait.ge [sflag:s7], $0x8000  }
0x125: {  	s1 =	sadd.s32 $0xFFFFFFFF, s1;
	s0 =	rddreg [dreg:$0x5];
	[sflag:s7] =	ssyncset.done $0x0  }
.LBB2_3:
0x126: {  	[sflag:s7] =	ssyncadd.s32 @p0 $0xFFFF8000  }
0x127: {  	[tilespmem:s11], [sflag:$0x7] =	stream.linear.gather [hbm4b:s0+s11], $0x200, $0x38;
	[tilespmem:$0x19400] =	vst v63  }
0x128: {  	s1 =	rddreg [dreg:$0x6]  }
0x129: {  	[tilespmem:s4], [sflag:$0x7] =	stream.linear.gather [hbm4b:s1+s11], $0x200, $0x38;
	[tilespmem:$0x19400] =	vst v63  }
0x12a: {  	s0 =	rddreg [dreg:$0x7]  }
0x12b: {  	[tilespmem:s30], [sflag:$0x7] =	stream.linear.gather [hbm4b:s0+s11], $0x200, $0x38;
	[tilespmem:$0x19400] =	vst v63  }
0x12c: {  	s1 =	rddreg [dreg:$0x8]  }
0x12d: {  	[tilespmem:s29], [sflag:$0x7] =	stream.linear.gather [hbm4b:s1+s11], $0x200, $0x38;
	[tilespmem:$0x19400] =	vst v63  }
0x12e: {  	s0 =	rddreg [dreg:$0x9]  }
0x12f: {  	[tilespmem:s28], [sflag:$0x7] =	stream.linear.gather [hbm4b:s0+s11], $0x200, $0x38;
	[tilespmem:$0x19400] =	vst v63  }
0x130: {  	s1 =	rddreg [dreg:$0xa]  }
0x131: {  	[tilespmem:s26], [sflag:$0x7] =	stream.linear.gather [hbm4b:s1+s11], $0x200, $0x38;
	[tilespmem:$0x19400] =	vst v63  }
0x132: {  	s0 =	rddreg [dreg:$0xb]  }
0x133: {  	[tilespmem:s24], [sflag:$0x7] =	stream.linear.gather [hbm4b:s0+s11], $0x200, $0x38;
	[tilespmem:$0x19400] =	vst v63  }
0x134: {  	s1 =	rddreg [dreg:$0xc]  }
0x135: {  	[tilespmem:s22], [sflag:$0x7] =	stream.linear.gather [hbm4b:s1+s11], $0x200, $0x38;
	[tilespmem:$0x19400] =	vst v63  }
0x136: {  	s0 =	rddreg [dreg:$0xd]  }
0x137: {  	[tilespmem:s18], [sflag:$0x7] =	stream.linear.gather [hbm4b:s0+s11], $0x200, $0x38;
	[tilespmem:$0x19400] =	vst v63  }
0x138: {  	s1 =	rddreg [dreg:$0xe]  }
0x139: {  	[tilespmem:s12], [sflag:$0x7] =	stream.linear.gather [hbm4b:s1+s11], $0x200, $0x38;
	[tilespmem:$0x19400] =	vst v63  }
0x13a: {  	_ =	swait.ge [sflag:s31], $0x200  }
0x13b: {  	[sflag:s31] =	ssyncset.done $0x0  }
0x13c: {  	[sflag:s31] =	ssyncadd.s32 $0xFFFFFE00  }
0x13d: {  	_ =	swait.ge [sflag:s31], $0x200  }
0x13e: {  	[sflag:s31] =	ssyncset.done $0x0  }
0x13f: {  	[sflag:s31] =	ssyncadd.s32 $0xFFFFFE00  }
0x140: {  	_ =	swait.ge [sflag:s31], $0x200  }
0x141: {  	[sflag:s31] =	ssyncset.done $0x0  }
0x142: {  	[sflag:s31] =	ssyncadd.s32 $0xFFFFFE00  }
0x143: {  	_ =	swait.ge [sflag:s31], $0x200  }
0x144: {  	[sflag:s31] =	ssyncset.done $0x0  }
0x145: {  	[sflag:s31] =	ssyncadd.s32 $0xFFFFFE00  }
0x146: {  	_ =	swait.ge [sflag:s31], $0x200  }
0x147: {  	[sflag:s31] =	ssyncset.done $0x0  }
0x148: {  	[sflag:s31] =	ssyncadd.s32 $0xFFFFFE00  }
0x149: {  	_ =	swait.ge [sflag:s31], $0x200  }
0x14a: {  	[sflag:s31] =	ssyncset.done $0x0  }
0x14b: {  	[sflag:s31] =	ssyncadd.s32 $0xFFFFFE00  }
0x14c: {  	_ =	swait.ge [sflag:s31], $0x200  }
0x14d: {  	[sflag:s31] =	ssyncset.done $0x0  }
0x14e: {  	[sflag:s31] =	ssyncadd.s32 $0xFFFFFE00  }
0x14f: {  	_ =	swait.ge [sflag:s31], $0x200  }
0x150: {  	[sflag:s31] =	ssyncset.done $0x0  }
0x151: {  	[sflag:s31] =	ssyncadd.s32 $0xFFFFFE00  }
0x152: {  	_ =	swait.ge [sflag:s31], $0x200  }
0x153: {  	[sflag:s31] =	ssyncset.done $0x0  }
0x154: {  	[sflag:s31] =	ssyncadd.s32 $0xFFFFFE00  }
0x155: {  	_ =	swait.ge [sflag:s31], $0x200  }
0x156: {  	[sflag:s31] =	ssyncset.done $0x0  }
0x157: {  	[sflag:s31] =	ssyncadd.s32 $0xFFFFFE00  }
0x158: {  	[tilespmem:s8], [sflag:$0x1] =	stream.indirect.gather [hbm4b:s2+s4], $0x40, s11, s4, $0xb8;
	[tilespmem:$0x19400] =	vst v63  }
0x159: {  	_ = 	snop  }
0x15a: {  	[tilespmem:s19], [sflag:$0x2] =	stream.indirect.gather [hbm4b:s2+s4], $0x40, s4, s4, $0xb8;
	[tilespmem:$0x19400] =	vst v63  }
0x15b: {  	_ =	swait.ge [sflag:s9], $0x8000  }
0x15c: {  	[sflag:s9] =	ssyncset.done $0x0  }
0x15d: {  	s31 =	rddreg [dreg:$0xf];
	[sflag:s9] =	ssyncadd.s32 $0xFFFF8000  }
0x15e: {  	[hbm4b:s31+s11] =	stream.linear.scatter [tilespmem:s8], [sflag:$0x4], $0x8000, $0x38;
	[tilespmem:$0x19400] =	vst v63  }
0x15f: {  	_ = 	snop  }
0x160: {  	[tilespmem:s14], [sflag:$0x3] =	stream.indirect.gather [hbm4b:s2+s4], $0x40, s30, s4, $0xb8;
	[tilespmem:$0x19400] =	vst v63  }
0x161: {  	_ =	swait.ge [sflag:s23], $0x8000  }
0x162: {  	[sflag:s23] =	ssyncset.done $0x0  }
0x163: {  	s1 =	rddreg [dreg:$0x10];
	[sflag:s23] =	ssyncadd.s32 $0xFFFF8000  }
0x164: {  	[hbm4b:s1+s11] =	stream.linear.scatter [tilespmem:s19], [sflag:$0x5], $0x8000, $0x38;
	[tilespmem:$0x19400] =	vst v63  }
0x165: {  	_ =	swait.ge [sflag:s7], $0x8000  }
0x166: {  	[sflag:s7] =	ssyncset.done $0x0  }
0x167: {  	[sflag:s7] =	ssyncadd.s32 $0xFFFF8000  }
0x168: {  	[tilespmem:s8], [sflag:$0x1] =	stream.indirect.gather [hbm4b:s2+s4], $0x40, s29, s4, $0xb8;
	[tilespmem:$0x19400] =	vst v63  }
0x169: {  	_ =	swait.ge [sflag:s20], $0x8000  }
0x16a: {  	[sflag:s20] =	ssyncset.done $0x0  }
0x16b: {  	[sflag:s20] =	ssyncadd.s32 $0xFFFF8000  }
0x16c: {  	[hbm4b:s25+s16] =	stream.strided.scatter [tilespmem:s14], [sflag:$0x6], $0x8000, s4, s16, $0x38;
	[tilespmem:$0x19400] =	vst v63  }
0x16d: {  	_ =	swait.ge [sflag:s15], $0x8000  }
0x16e: {  	[sflag:s15] =	ssyncset.done $0x0  }
0x16f: {  	[sflag:s15] =	ssyncadd.s32 $0xFFFF8000  }
0x170: {  	[tilespmem:s19], [sflag:$0x2] =	stream.indirect.gather [hbm4b:s2+s4], $0x40, s28, s4, $0xb8;
	[tilespmem:$0x19400] =	vst v63  }
0x171: {  	_ =	swait.ge [sflag:s9], $0x8000  }
0x172: {  	[sflag:s9] =	ssyncset.done $0x0  }
0x173: {  	s30 =	rddreg [dreg:$0x11];
	[sflag:s9] =	ssyncadd.s32 $0xFFFF8000  }
0x174: {  	[hbm4b:s30+s16] =	stream.strided.scatter [tilespmem:s8], [sflag:$0x4], $0x8000, s4, s16, $0x38;
	[tilespmem:$0x19400] =	vst v63  }
0x175: {  	_ =	swait.ge [sflag:s13], $0x8000  }
0x176: {  	[sflag:s13] =	ssyncset.done $0x0  }
0x177: {  	[sflag:s13] =	ssyncadd.s32 $0xFFFF8000  }
0x178: {  	[tilespmem:s14], [sflag:$0x3] =	stream.indirect.gather [hbm4b:s2+s4], $0x40, s26, s4, $0xb8;
	[tilespmem:$0x19400] =	vst v63  }
0x179: {  	_ =	swait.ge [sflag:s23], $0x8000  }
0x17a: {  	[sflag:s23] =	ssyncset.done $0x0  }
0x17b: {  	[sflag:s23] =	ssyncadd.s32 $0xFFFF8000  }
0x17c: {  	[hbm4b:s21+s16] =	stream.strided.scatter [tilespmem:s19], [sflag:$0x5], $0x8000, s4, s16, $0x38;
	[tilespmem:$0x19400] =	vst v63  }
0x17d: {  	_ =	swait.ge [sflag:s7], $0x8000  }
0x17e: {  	[sflag:s7] =	ssyncset.done $0x0  }
0x17f: {  	[sflag:s7] =	ssyncadd.s32 $0xFFFF8000  }
0x180: {  	[tilespmem:s8], [sflag:$0x1] =	stream.indirect.gather [hbm4b:s2+s4], $0x40, s24, s4, $0xb8;
	[tilespmem:$0x19400] =	vst v63  }
0x181: {  	_ =	swait.ge [sflag:s20], $0x8000  }
0x182: {  	[sflag:s20] =	ssyncset.done $0x0  }
0x183: {  	[sflag:s20] =	ssyncadd.s32 $0xFFFF8000  }
0x184: {  	[hbm4b:s17+s16] =	stream.strided.scatter [tilespmem:s14], [sflag:$0x6], $0x8000, s4, s16, $0x38;
	[tilespmem:$0x19400] =	vst v63  }
0x185: {  	_ =	swait.ge [sflag:s15], $0x8000  }
0x186: {  	[sflag:s15] =	ssyncset.done $0x0  }
0x187: {  	[sflag:s15] =	ssyncadd.s32 $0xFFFF8000  }
0x188: {  	[tilespmem:s19], [sflag:$0x2] =	stream.indirect.gather [hbm4b:s2+s4], $0x40, s22, s4, $0xb8;
	[tilespmem:$0x19400] =	vst v63  }
0x189: {  	_ =	swait.ge [sflag:s9], $0x8000  }
0x18a: {  	[sflag:s9] =	ssyncset.done $0x0  }
0x18b: {  	[sflag:s9] =	ssyncadd.s32 $0xFFFF8000  }
0x18c: {  	[hbm4b:s10+s16] =	stream.strided.scatter [tilespmem:s8], [sflag:$0x4], $0x8000, s4, s16, $0x38;
	[tilespmem:$0x19400] =	vst v63  }
0x18d: {  	_ =	swait.ge [sflag:s13], $0x8000  }
0x18e: {  	[sflag:s13] =	ssyncset.done $0x0  }
0x18f: {  	[sflag:s13] =	ssyncadd.s32 $0xFFFF8000  }
0x190: {  	[tilespmem:s14], [sflag:$0x3] =	stream.indirect.gather [hbm4b:s2+s4], $0x40, s18, s4, $0xb8;
	[tilespmem:$0x19400] =	vst v63  }
0x191: {  	_ =	swait.ge [sflag:s23], $0x8000  }
0x192: {  	[sflag:s23] =	ssyncset.done $0x0  }
0x193: {  	[sflag:s23] =	ssyncadd.s32 $0xFFFF8000  }
0x194: {  	[hbm4b:s6+s16] =	stream.strided.scatter [tilespmem:s19], [sflag:$0x5], $0x8000, s4, s16, $0x38;
	[tilespmem:$0x19400] =	vst v63  }
0x195: {  	_ =	swait.ge [sflag:s7], $0x8000  }
0x196: {  	[sflag:s7] =	ssyncset.done $0x0  }
0x197: {  	[sflag:s7] =	ssyncadd.s32 $0xFFFF8000  }
0x198: {  	[tilespmem:s8], [sflag:$0x1] =	stream.indirect.gather [hbm4b:s2+s4], $0x40, s12, s4, $0xb8;
	[tilespmem:$0x19400] =	vst v63  }
0x199: {  	_ =	swait.ge [sflag:s20], $0x8000  }
0x19a: {  	[sflag:s20] =	ssyncset.done $0x0  }
0x19b: {  	[sflag:s20] =	ssyncadd.s32 $0xFFFF8000  }
0x19c: {  	[hbm4b:s5+s16] =	stream.strided.scatter [tilespmem:s14], [sflag:$0x6], $0x8000, s4, s16, $0x38;
	[tilespmem:$0x19400] =	vst v63  }
0x19d: {  	_ =	swait.ge [sflag:s9], $0x8000  }
0x19e: {  	[sflag:s9] =	ssyncset.done $0x0  }
0x19f: {  	[sflag:s9] =	ssyncadd.s32 $0xFFFF8000  }
0x1a0: {  	[hbm4b:s3+s16] =	stream.strided.scatter [tilespmem:s8], [sflag:$0x4], $0x8000, s4, s16, $0x38;
	[tilespmem:$0x19400] =	vst v63  }
0x1a1: {  	_ =	swait.ge [sflag:s15], $0x8000  }
0x1a2: {  	[sflag:s15] =	ssyncset.done $0x0  }
0x1a3: {  	[sflag:s15] =	ssyncadd.s32 $0xFFFF8000  }
0x1a4: {  	_ =	swait.ge [sflag:s13], $0x8000  }
0x1a5: {  	[sflag:s13] =	ssyncset.done $0x0  }
0x1a6: {  	[sflag:s13] =	ssyncadd.s32 $0xFFFF8000  }
0x1a7: {  	_ =	swait.ge [sflag:s7], $0x8000  }
0x1a8: {  	[sflag:s7] =	ssyncset.done $0x0  }
0x1a9: {  	[sflag:s7] =	ssyncadd.s32 $0xFFFF8000  }
0x1aa: {  	_ =	sfence.sel $0x180000  }
0x1ab: {  	[bflag:$0x0] =	sbarrier.arrive $0xFFFF  }
0x1ac: {  	_ =	strace $0x90000047  }
0x1ad: {  	s31 =	stileid.u32;
	[bflag:$0x2] =	sbarrier.arrive $0xFFFF  }
0x1ae: {  	p0 =	sne.s32 s31, $0x0;
	s0 =	rddreg [dreg:$0x4]  }
0x1af: {  	s0 =	sadd.s32 @!p0 $0x100000, s0  }
0x1b0: {  	[sflag:s0] =	ssyncadd.tile.s32 @!p0 $0x1;
	_ =	shalt  }
.Lfunc_end2:
_tile_overlayer_lowered:
.L_overlay_start_2:
0x1b1: {  	(tag) =	ssettag $0x2  }
0x1b2: {  	s0 =	rddreg [dreg:$0x0];
	s2 =	stileid.u32  }
0x1b3: {  	s1 =	rddreg [dreg:$0x1];
	p0 =	sne.s32 s2, $0x0  }
0x1b4: {  	s3 =	rddreg [dreg:$0x2];
	[bflag:$0x3] =	sbarrier.arrive $0xFFFF;
	s2 =	simm.s32 @!p0 $0x1C08  }
0x1b5: {  	[timem:s3], [sflag:s2] =	dma.local @!p0 [hbm:s0], s1  }
0x1b6: {  	s0 =	simm.s32 @!p0 $0x8  }
0x1b7: {  	_ =	swait.ge @!p0 [sflag:s0], s1  }
0x1b8: {  	s1 =	ssub.s32 @!p0 $0x0, s1;
	[sflag:s0] =	ssyncset.done @!p0 $0x0  }
0x1b9: {  	[sflag:s0] =	ssyncadd.s32 @!p0 s1  }
0x1ba: {  	[bflag:$0x3] =	sbarrier.arrive $0xFFFF  }
0x1bb: {  	_ =	shalt  }

// kernel: sparse-core-data-format-call.cloned.1.call-start
scs
called_computation_lowered:
.L_overlay_start_0:
0x0: {  	s2 =	sld [smem:$0x3FD9]  }
0x1: {  	s3 =	sld [smem:$0x3FFE];
	_ =	sdelay $0x1  }
0x2: {  	s1 =	srdreg.scid  }
0x3: {  	s0 =	sand.u32 $0x1, s1  }
0x4: {  	s15 =	sshll.u32 s0, $0xA;
	s2 =	sadd.s32 s3, s2  }
0x5: {  	s2 =	sadd.s32 s2, s15  }
0x6: {  	[smem:$0x3FC6] =	sst s2  }
0x7: {  	_ = 	snop  }
0x8: {  	s2 =	sld [smem:$0x3FD0];
	_ =	sdelay $0x2  }
0x9: {  	s16 =	simm.s32 $0xA;
	s4 =	simm.s32 $0x10  }
0xa: {  	[smem:s4], [sflag:s16] =	dma.local [hbm:s2], $0x1  }
0xb: {  	_ =	swait.eq [sflag:s16], $0x1  }
0xc: {  	[sflag:s16] =	ssyncset.done $0x0  }
0xd: {  	[sflag:s16] =	ssyncadd.s32 $0xFFFFFFFF  }
0xe: {  	s17 =	sld [smem:$0x12];
	(tm) =	ssettm $0x1  }
0xf: {  	s18 =	sld [smem:$0x3FFB];
	_ =	sdelay $0x3  }
0x10: {  	_ =	strace s18  }
0x11: {  	s3 =	sld [smem:$0x3FFC];
	_ =	sdelay $0x3  }
0x12: {  	_ =	strace s3  }
0x13: {  	s3 =	sld [smem:$0x3FFD];
	_ =	sdelay $0x3  }
0x14: {  	_ =	strace s3  }
0x15: {  	_ =	strace $0x8FFFFFFF  }
0x16: {  	s19 =	sld [smem:$0x3FDB];
	_ =	sdelay $0x1  }
0x17: {  	s20 =	simm.s32 $_scs_section_size  }
0x18: {  	s5 =	simm.s32 $_size__tile_overlayer_lowered;
	s6 =	simm.s32 $_tile_overlayer_lowered  }
0x19: {  	s23 =	simm.s32 $0x1BFF;
	s22 =	sshll.u32 s6, $0x1;
	s3 =	sadd.s32 s20, s19  }
0x1a: {  	s7 =	simm.s32 $0x0;
	s21 =	sshll.u32 s5, $0x1;
	s5 =	sadd.s32 s22, s3  }
0x1b: {  	[timem:s7], [sflag:s23] =	dma.local [hbm:s5], s21  }
0x1c: {  	_ =	swait.ge [sflag:s23], s21  }
0x1d: {  	s4 =	ssub.s32 $0x0, s21;
	[sflag:s23] =	ssyncset.done $0x0  }
0x1e: {  	[sflag:s23] =	ssyncadd.s32 s4;
	_ =	sdelay $0x1  }
0x1f: {  	s24 =	simm.s32 $0x1B8B  }
0x20: {  	_ =	swait.ge [sflag:s24], $0x1  }
0x21: {  	[sflag:s24] =	ssyncset.done $0x0  }
0x22: {  	s26 =	simm.s32 $0x1B8E;
	s25 =	sld [smem:$0x3FFE];
	[sflag:s24] =	ssyncadd.s32 $0xFFFFFFFF  }
0x23: {  	s27 =	simm.s32 $execute0_lowered;
	[smem:$0x3FD2] =	sst s26  }
0x24: {  	s5 =	sshll.u32 s27, $0x1;
	_ =	strace $0x80000049;
	[dreg:$0x1] =	wrdreg $0xFFFFFFFF  }
0x25: {  	s28 =	simm.s32 $_size_execute0_lowered;
	s3 =	sadd.s32 s3, s5;
	[dreg:$0x0] =	wrdreg $0x0  }
0x26: {  	s5 =	sshll.u32 s28, $0x1;
	[dreg:$0x2] =	wrdreg s3  }
0x27: {  	[dreg:$0x3] =	wrdreg s5  }
0x28: {  	[dreg:$0x4] =	wrdreg $0xC0  }
0x29: {  	_ =	task [dreg:s7], $0x5FFFF  }
0x2a: {  	[dreg:$0x1] =	wrdreg $0xFFFFFFFF  }
0x2b: {  	[dreg:$0x0] =	wrdreg $0x60  }
0x2c: {  	[dreg:$0x2] =	wrdreg s25  }
0x2d: {  	[dreg:$0x3] =	wrdreg s17  }
0x2e: {  	[dreg:$0x4] =	wrdreg $0x9  }
0x2f: {  	_ =	task.clear_ibuf [dreg:s7], $0x5FFFF;
	_ =	strace $0x90000049  }
0x30: {  	s29 =	simm.s32 $0x9;
	_ =	strace $0x8000004B  }
0x31: {  	_ =	swait.ge [sflag:s29], $0x1  }
0x32: {  	[sflag:s29] =	ssyncadd.s32 $0xFFFFFFFF  }
0x33: {  	_ =	strace $0x9000004B  }
0x34: {  	_ =	sfence  }
0x35: {  	s30 =	sld [smem:$0x0];
	_ =	sdelay $0x2  }
0x36: {  	s31 =	sshll.u32 s1, $0xD;
	s1 =	sshrl.u32 s1, $0x2  }
0x37: {  	s3 =	sand.u32 $0x4000, s31;
	s1 =	sadd.s32 s1, s30  }
0x38: {  	s0 =	sor.u32 s3, s0;
	s1 =	sshll.u32 s1, $0x11  }
0x39: {  	s0 =	sor.u32 s1, s0  }
0x3a: {  	s0 =	sadd.s32 $0x8F2B, s0  }
0x3b: {  	[sflag:s0] =	ssyncadd.remote.s32 $0x1  }
0x3c: {  	_ =	sfence.sel $0xFFFF  }
0x3d: {  	[dreg:$0x0] =	wrdreg $0xFFFFFFFF;
	(pc) =	sbr.abs _section_cstart, $3  }
0x3e: {  	[dreg:$0x1] =	wrdreg $0xFFFFFFFF  }
0x3f: {  	_ =	task.clear_ibuf [dreg:s7], $0x2FFFF;
	_ =	strace $0x9FFFFFFF  }
0x40: {  	(tm) =	ssettm $0x7FFFFFFF  }
0x41: {  	_ =	shalt  }
tec
execute0_lowered:
.L_overlay_start_1:
0x0: {  	(tag) =	ssettag $0x1  }
0x1: {  	s0 =	srdreg.scid  }
0x2: {  	s1 =	sshll.u32 s0, $0x4  }
0x3: {  	s6 =	rddreg [dreg:$0x0];
	s0 =	stileid.u32;
	s1 =	sand.u32 $0x10, s1  }
0x4: {  	s3 =	rddreg [dreg:$0x1];
	s5 =	simm.s32 $0x1;
	s1 =	sor.u32 s0, s1  }
0x5: {  	s31 =	simm.s32 $0x2;
	s12 =	simm.s32 $0x0;
	s2 =	sshll.u32 s1, $0x7  }
0x6: {  	s8 =	simm.s32 $0x20000;
	s13 =	simm.s32 $0x0;
	s4 =	ssub.s32 $0x4000, s2  }
0x7: {  	s9 =	simm.s32 $0x0;
	s11 =	simm.s32 $0x0;
	s30 =	sand.u32 $0xF80, s4  }
.Ltmp0:
0x8: {  	s6 =	sadd.s32 $0x1200, s6;
	p0 =	sne.s32 s30, $0x0;
	(pc) =	sbr.rel .LBB1_1-.Ltmp0, $4  }
0x9: {  	s1 =	rddreg [dreg:$0x2];
	s7 =	sshrl.u32 s4, $0xC;
	s5 =	simm.s32 @!p0 $0x0  }
0xa: {  	_ =	strace $0x8000004A;
	s4 =	simm.s32 $0x1;
	s5 =	sadd.s32 s5, s7  }
0xb: {  	s10 =	smov.u32 s2;
	[sflag:s4] =	ssyncpa.u1 $0x0;
	s5 =	sshll.u32 s5, $0x3  }
0xc: {  	[sflag:s31] =	ssyncpa.u1 $0x0;
	p0 =	por $0x0, $0x0;
	s7 =	sor.u32 $0x1, s5  }
.LBB1_4:
0xd: {  	s16 =	sshll.u32 s13, $0x3;
	s17 =	sand.u32 $0x78, s13  }
0xe: {  	s30 =	sand.u32 $0x1F800, s13;
	s12 =	sshll.u32 s12, $0x11;
	s16 =	sand.u32 $0x3C00, s16  }
0xf: {  	[tilespmem:s15+$0x810 ss:$0x81] =	vst.msk $0xffff, v2;
	s31 =	sand.u32 $0x7, s13;
	s16 =	sor.u32 s17, s16;
	s17 =	sadd.s32 s3, s30  }
0x10: {  	[tilespmem:s15+$0x1020 ss:$0x81] =	vst.msk $0xffff, v0;
	s13 =	sshll.u32 s31, $0x12;
	s12 =	sadd.s32 s12, s17;
	s16 =	sshrl.u32 s16, $0x3  }
0x11: {  	[tilespmem:s15+$0x0 ss:$0x81] =	vst.msk $0xffff, v1;
	s13 =	sor.u32 $0x400, s13;
	s12 =	sadd.s32 s16, s12  }
0x12: {  	[hbm4b:s12+s13] =	stream.strided.scatter [tilespmem:s14], [sflag:$0x2], $0x2000, s8, s13, $0x20;
	[tilespmem:$0x8080] =	vst v63  }
.LBB1_5:
0x13: {  	s14 =	sadd.s32 $0x1, s9  }
0x14: {  	s12 =	sadd.s32 $0x1000, s10;
	s16 =	smov.u32 s10;
	p2 =	sgt.s32 s14, $0x7  }
0x15: {  	s16 =	smov.u32 @p2 s12  }
0x16: {  	s14 =	simm.s32 @p2 $0x0;
	p2 =	sgt.s32 s16, $0x3FFF  }
0x17: {  	s16 =	smov.u32 @p2 s2;
	p2 =	sne.s32 s11, s7  }
.Ltmp1:
0x18: {  	p1 =	slt.u32 s11, $0x2;
	(pc) =	sbr.rel @!p2 .LBB1_6-.Ltmp1, $4  }
0x19: {  	s15 =	simm.s32 @!p1 $0x2  }
0x1a: {  	s13 =	smov.u32 s10;
	p0 =	por !p0, !p0;
	_ =	swait.ge @!p1 [sflag:s15], $0x2000  }
0x1b: {  	s12 =	smov.u32 s9;
	[sflag:s15] =	ssyncset.done @!p1 $0x0;
	s9 =	smov.u32 s14  }
0x1c: {  	s11 =	sadd.s32 $0x1, s11;
	[sflag:s15] =	ssyncadd.s32 @!p1 $0xFFFFE000;
	s10 =	smov.u32 s16  }
.LBB1_1:
0x1d: {  	p1 =	sge.u32 s11, s5  }
0x1e: {  	s31 =	sadd.s32 $0xFFFFFFFF, s11;
	s14 =	sxor.u32 @!p1 $0xFFFFFFFF, s11  }
0x1f: {  	s15 =	sshll.u32 @!p1 s10, $0x7;
	s16 =	sshll.u32 @!p1 s9, $0x4;
	s17 =	simm.s32 @!p1 $0x400  }
0x20: {  	s14 =	sshll.u32 @!p1 s14, $0xD;
	s16 =	sand.u32 @!p1 $0x70, s16;
	s15 =	sadd.s32 @!p1 s6, s15  }
0x21: {  	s14 =	sand.u32 @!p1 $0x2000, s14;
	s15 =	sadd.s32 @!p1 s16, s15;
	s16 =	simm.s32 @!p1 $0x40  }
0x22: {  	[tilespmem:s14], [sflag:$0x1] =	stream.strided.gather @!p1 [hbm4b:s15+s16], $0x2000, s17, s16, $0x38;
	[tilespmem:$0x8080] =	vst v63  }
0x23: {  	p1 =	sge.u32 s31, s5  }
.Ltmp2:
0x24: {  	_ = 	snop;
	(pc) =	sbr.rel @p1 .LBB1_5-.Ltmp2, $1  }
0x25: {  	_ =	sdelay $0x3  }
0x26: {  	s14 =	simm.s32 $0x1  }
0x27: {  	_ =	swait.ge [sflag:s4], $0x2000;
	s14 =	simm.s32 @!p0 $0x0  }
0x28: {  	[sflag:s4] =	ssyncset.done $0x0;
	s15 =	sshll.u32 s14, $0xD  }
0x29: {  	[sflag:s4] =	ssyncadd.s32 $0xFFFFE000;
	s18 =	sor.u32 $0x20, s15  }
0x2a: {  	s14 =	smul.u32 $0x8100, s14;
	v3 =	vld [tilespmem:s18+$0x10]  }
0x2b: {  	s30 =	sand.u32 $0x1, s11;
	v2 =	vld [tilespmem:s18+$0xFFFFFFF0]  }
0x2c: {  	s15 =	smul.u32 $0x8100, s30;
	s14 =	sshrl.u32 s14, $0x2;
	v0 =	vld [tilespmem:s18+$0x0]  }
0x2d: {  	v1 =	vld [tilespmem:s18+$0xFFFFFFE0];
	s16 =	sor.u32 $0x4000, s14  }
0x2e: {  	s31 =	sshrl.u32 s15, $0x2;
	s15 =	sadd.s32 $0x0, s16  }
0x2f: {  	s17 =	simm.s32 $0x4;
	s18 =	sadd.s32 $0x40, s18;
	s14 =	sor.u32 $0x4000, s31;
	[tilespmem:s15+$0x1830 ss:$0x81] =	vst.msk $0xffff, v3  }
.LBB1_3:
0x30: {  	v3 =	vld [tilespmem:s18+$0x10];
	p1 =	sne.s32 s17, $0x1FC;
	[tilespmem:s15+$0x810 ss:$0x81] =	vst.msk $0xffff, v2;
	s19 =	smov.u32 s17;
	s17 =	sadd.s32 $0x4, s17  }
.Ltmp3:
0x31: {  	v2 =	vld [tilespmem:s18+$0xFFFFFFF0];
	[tilespmem:s15+$0x1020 ss:$0x81] =	vst.msk $0xffff, v0;
	(pc) =	sbr.rel @p1 .LBB1_3-.Ltmp3, $4  }
0x32: {  	v0 =	vld [tilespmem:s18+$0x0];
	[tilespmem:s15+$0x0 ss:$0x81] =	vst.msk $0xffff, v1  }
0x33: {  	s15 =	sshra.s32 s19, $0x2;
	v1 =	vld [tilespmem:s18+$0xFFFFFFE0]  }
0x34: {  	s15 =	sadd.s32 s15, s16  }
0x35: {  	s18 =	sadd.s32 $0x40, s18;
	[tilespmem:s15+$0x1830 ss:$0x81] =	vst.msk $0xffff, v3  }
.Ltmp4:
0x36: {  	_ = 	snop;
	(pc) =	sbr.rel .LBB1_4-.Ltmp4, $1  }
0x37: {  	_ =	sdelay $0x3  }
.LBB1_6:
0x38: {  	_ =	sfence.sel $0x180000  }
0x39: {  	s2 =	simm.s32 $0x1;
	[bflag:$0x0] =	sbarrier.arrive $0xFFFF  }
0x3a: {  	s31 =	simm.s32 $0x2;
	[sflag:s2] =	ssyncpa.u1 $0x1  }
0x3b: {  	[sflag:s31] =	ssyncpa.u1 $0x1  }
0x3c: {  	p0 =	sne.s32 s0, $0x0;
	_ =	strace $0x9000004A  }
0x3d: {  	s0 =	sadd.s32 @!p0 $0x100000, s1;
	[bflag:$0x2] =	sbarrier.arrive $0xFFFF  }
0x3e: {  	[sflag:s0] =	ssyncadd.tile.s32 @!p0 $0x1;
	_ =	shalt  }
.Lfunc_end1:
_tile_overlayer_lowered:
.L_overlay_start_2:
0x3f: {  	(tag) =	ssettag $0x2  }
0x40: {  	s0 =	rddreg [dreg:$0x0];
	s2 =	stileid.u32  }
0x41: {  	s1 =	rddreg [dreg:$0x1];
	p0 =	sne.s32 s2, $0x0  }
0x42: {  	s3 =	rddreg [dreg:$0x2];
	[bflag:$0x3] =	sbarrier.arrive $0xFFFF;
	s2 =	simm.s32 @!p0 $0x1C01  }
0x43: {  	[timem:s3], [sflag:s2] =	dma.local @!p0 [hbm:s0], s1  }
0x44: {  	s0 =	simm.s32 @!p0 $0x1  }
0x45: {  	_ =	swait.ge @!p0 [sflag:s0], s1  }
0x46: {  	s1 =	ssub.s32 @!p0 $0x0, s1;
	[sflag:s0] =	ssyncset.done @!p0 $0x0  }
0x47: {  	[sflag:s0] =	ssyncadd.s32 @!p0 s1  }
0x48: {  	[bflag:$0x3] =	sbarrier.arrive $0xFFFF  }
0x49: {  	_ =	shalt  }

</sc_bundles>
